<compile_context>
chip_gen: v7x
topology: tpu7x:2x2x1
jax: 0.10.2.dev20260603
libtpu: 0.0.44.dev20260713+nightly
codegen_flags: <defaults>
</compile_context>

<pallas_src>
import functools

import jax
import jax.numpy as jnp
from jax import lax
from jax.experimental import pallas as pl
from jax.experimental.pallas import tpu as pltpu
from jax.experimental.pallas import tpu_sc as plsc

_DIL = 2
_NEG_INF = float("-inf")

_SC_INFO = plsc.get_sparse_core_info()
_NC = _SC_INFO.num_cores
_NS = _SC_INFO.num_subcores
_NW = _NC * _NS
_CHUNK = 128


def _dot(a, b, ca, cb):
    return lax.dot_general(a, b, (((ca,), (cb,)), ((), ())),
                           preferred_element_type=jnp.float32)


def _score_body(x_ref, mem_ref, wf_ref, yg_ref, idx_ref, w1_ref, memB_ref):
    P = x_ref.shape[2]
    C = x_ref.shape[1]
    M = mem_ref.shape[0]
    mem = mem_ref[...]
    x = x_ref[0]
    xt = x.T

    @pl.when(pl.program_id(0) == 0)
    def _prep():
        C2 = C // 2
        mb = _dot(mem, wf_ref[:, C:], 1, 1).astype(jnp.bfloat16)
        lo = lax.bitcast_convert_type(mb[:, :C2], jnp.uint16).astype(jnp.uint32)
        hi = lax.bitcast_convert_type(mb[:, C2:], jnp.uint16).astype(jnp.uint32)
        packed = lo | (hi << 16)
        pad = memB_ref.shape[1] - C2
        memB_ref[...] = jnp.concatenate(
            [packed, jnp.zeros((M, pad), jnp.uint32)], axis=1)

    ig = jnp.mean(xt, axis=0, keepdims=True)
    sg = _dot(ig, mem, 1, 1)
    sg = sg - jnp.max(sg, axis=1, keepdims=True)
    eg = jnp.exp(sg)
    smg = eg / jnp.sum(eg, axis=1, keepdims=True)
    mr = jnp.dot(smg, mem, preferred_element_type=jnp.float32) + ig
    gate = 1.0 / (1.0 + jnp.exp(-mr))
    yg_ref[0] = _dot(xt * gate, wf_ref[:, :C], 1, 1)

    S = _dot(xt, mem, 1, 1)
    col = lax.broadcasted_iota(jnp.int32, (P, M), 1)
    v1 = jnp.max(S, axis=1, keepdims=True)
    i1 = jnp.min(jnp.where(S == v1, col, M), axis=1, keepdims=True)
    S2 = jnp.where(col == i1, _NEG_INF, S)
    v2 = jnp.max(S2, axis=1, keepdims=True)
    i2 = jnp.min(jnp.where(S2 == v2, col, M), axis=1, keepdims=True)
    e2 = jnp.exp(v2 - v1)
    idx_ref[0, 0] = i1.T
    idx_ref[1, 0] = i2.T
    w1_ref[0] = (1.0 / (1.0 + e2)).T


def _make_sc_gather(n_idx, D):
    rows_per_w = n_idx // _NW
    chunks = rows_per_w // _CHUNK
    mesh = plsc.VectorSubcoreMesh(core_axis_name="c", subcore_axis_name="s")

    @functools.partial(
        pl.kernel, mesh=mesh,
        out_type=jax.ShapeDtypeStruct((n_idx, D), jnp.uint32),
        scratch_types=[
            pltpu.VMEM((chunks, _CHUNK), jnp.int32),
            pltpu.VMEM((_CHUNK, D), jnp.uint32),
            pltpu.SemaphoreType.DMA,
        ],
    )
    def gather_k(table_hbm, idx_hbm, out_hbm, idx_v, rows_v, sem):
        wid = lax.axis_index("s") * _NC + lax.axis_index("c")
        base_chunk = wid * chunks
        pltpu.sync_copy(idx_hbm.at[pl.ds(base_chunk, chunks)], idx_v)
        for j in range(chunks):
            pltpu.async_copy(table_hbm.at[idx_v.at[j]], rows_v, sem).wait()
            pltpu.sync_copy(
                rows_v, out_hbm.at[pl.ds((base_chunk + j) * _CHUNK, _CHUNK)])

    return gather_k


def _fuse_body(H, W, yg_ref, g1_ref, g2_ref, w1_ref, bf_ref, taps_ref,
               bdw_ref, out_ref):
    C = yg_ref.shape[2]
    a1 = w1_ref[0].T

    def unpack(gu_padded):
        gu = gu_padded[:, :C // 2]
        lo = lax.bitcast_convert_type(
            (gu & 0xFFFF).astype(jnp.uint16), jnp.bfloat16).astype(jnp.float32)
        hi = lax.bitcast_convert_type(
            (gu >> 16).astype(jnp.uint16), jnp.bfloat16).astype(jnp.float32)
        return jnp.concatenate([lo, hi], axis=1)

    g1 = unpack(g1_ref[0, 0])
    g2 = unpack(g2_ref[0, 0])
    Y = (yg_ref[0] + a1 * g1 + (1.0 - a1) * g2
         + bf_ref[...])
    Y = jnp.where(Y > 0, Y, 0.2 * Y)

    Yh = Y.reshape(H, W, C)

    def shift(a, axis, d):
        if d == 0:
            return a
        zshape = list(a.shape)
        zshape[axis] = abs(d)
        z = jnp.zeros(zshape, a.dtype)
        n = a.shape[axis]
        if d > 0:
            body = lax.slice_in_dim(a, d, n, axis=axis)
            return jnp.concatenate([body, z], axis=axis)
        body = lax.slice_in_dim(a, 0, n + d, axis=axis)
        return jnp.concatenate([z, body], axis=axis)

    acc = jnp.zeros((H, W, C), jnp.float32)
    k = 0
    for kh in range(3):
        for kw in range(3):
            dh = (kh - 1) * _DIL
            dw = (kw - 1) * _DIL
            win = shift(shift(Yh, 0, dh), 1, dw)
            acc = acc + win * taps_ref[k, :][None, None, :]
            k += 1
    acc = acc + bdw_ref[0, :][None, None, :]
    out_ref[0] = jnp.where(acc > 0, acc, 0.2 * acc)


def kernel(image_feature, memory, W_fuse, b_fuse, W_dw, b_dw):
    B, C, H, W = image_feature.shape
    M = memory.shape[0]
    P = H * W
    GB = 4
    x_cp = image_feature.reshape(B, C, P)
    taps = W_dw[:, 0, :, :].reshape(C, 9).T
    bf = b_fuse.reshape(1, C)
    bdw = b_dw.reshape(1, C)

    PW = 256
    sc_gather = _make_sc_gather(2 * GB * P, PW)
    outs = []
    for g in range(B // GB):
        yg, idx, w1, memB = pl.pallas_call(
            _score_body,
            grid=(GB,),
            in_specs=[
                pl.BlockSpec((1, C, P), lambda b, g=g: (GB * g + b, 0, 0)),
                pl.BlockSpec((M, C), lambda b: (0, 0)),
                pl.BlockSpec((C, 2 * C), lambda b: (0, 0)),
            ],
            out_specs=[
                pl.BlockSpec((1, P, C), lambda b: (b, 0, 0)),
                pl.BlockSpec((2, 1, 1, P), lambda b: (0, b, 0, 0)),
                pl.BlockSpec((1, 1, P), lambda b: (b, 0, 0)),
                pl.BlockSpec((M, PW), lambda b: (0, 0)),
            ],
            out_shape=[
                jax.ShapeDtypeStruct((GB, P, C), jnp.float32),
                jax.ShapeDtypeStruct((2, GB, 1, P), jnp.int32),
                jax.ShapeDtypeStruct((GB, 1, P), jnp.float32),
                jax.ShapeDtypeStruct((M, PW), jnp.uint32),
            ],
        )(x_cp, memory, W_fuse)

        n_idx = 2 * GB * P
        idx_flat = idx.reshape(n_idx // _CHUNK, _CHUNK)
        gathered = sc_gather(memB, idx_flat)
        gr = gathered.reshape(2, GB, P, PW)

        outs.append(pl.pallas_call(
            functools.partial(_fuse_body, H, W),
            grid=(GB,),
            in_specs=[
                pl.BlockSpec((1, P, C), lambda b: (b, 0, 0)),
                pl.BlockSpec((1, 1, P, PW), lambda b, PW=PW: (0, b, 0, 0)),
                pl.BlockSpec((1, 1, P, PW), lambda b, PW=PW: (1, b, 0, 0)),
                pl.BlockSpec((1, 1, P), lambda b: (b, 0, 0)),
                pl.BlockSpec((1, C), lambda b: (0, 0)),
                pl.BlockSpec((9, C), lambda b: (0, 0)),
                pl.BlockSpec((1, C), lambda b: (0, 0)),
            ],
            out_specs=pl.BlockSpec((1, H, W, C), lambda b: (b, 0, 0, 0)),
            out_shape=jax.ShapeDtypeStruct((GB, H, W, C), jnp.float32),
        )(yg, gr, gr, w1, bf, taps, bdw))

    out = jnp.concatenate(outs, axis=0)
    return out.transpose(0, 3, 1, 2)

# --- scband reference (transcript-rebuilt; emitter-appended) ---
"""Pipeline reference for scband-memory-72945724555740 (READ-ONLY COPY).

The authoritative reference and input builder live on the scoring server;
editing this copy changes nothing except your own understanding.
"""

import jax, jax.numpy as jnp
import numpy as np

B, C, H, W = 4, 384, 32, 32
M = 1024
TOPK = 2
DIL = 2

def setup_inputs(seed: int = 0) -> dict:
    key = jax.random.key(seed)
    ks = jax.random.split(key, 6)
    image_feature = jax.random.normal(ks[0], (B, C, H, W), dtype=jnp.float32)
    memory = jax.random.normal(ks[1], (M, C), dtype=jnp.float32)
    W_fuse = jax.random.normal(ks[2], (C, 2 * C), dtype=jnp.float32) * 0.02
    b_fuse = jnp.zeros((C,), dtype=jnp.float32)
    W_dw = jax.random.normal(ks[3], (C, 1, 3, 3), dtype=jnp.float32) * 0.1
    b_dw = jnp.zeros((C,), dtype=jnp.float32)
    return {"image_feature": image_feature, "memory": memory, "W_fuse": W_fuse,
            "b_fuse": b_fuse, "W_dw": W_dw, "b_dw": b_dw}

def _leaky(x):
    return jnp.where(x > 0, x, 0.2 * x)

def reference(image_feature, memory, W_fuse, b_fuse, W_dw, b_dw):
    x = image_feature
    b, c, h, w = x.shape
    m = memory.shape[0]
    # global branch
    I_G = jnp.mean(x, axis=(2, 3))                      # [B, C]
    score = I_G @ memory.T                              # [B, M]
    score_image = jax.nn.softmax(score, axis=1)
    memory_response = score_image @ memory + I_G        # [B, C]
    gate = jax.nn.sigmoid(memory_response)[:, :, None, None]
    global_comp = gate * x                              # [B, C, H, W]
    # spatial branch: 1x1 conv with detached memory as kernels
    mem_k = jax.lax.stop_gradient(memory)
    score_maps = jnp.einsum('bchw,mc->bmhw', x, mem_k)  # [B, M, H, W]
    sm = score_maps.reshape(b, m, h * w)                # [B, M, HW]
    sm_t = jnp.transpose(sm, (0, 2, 1))                 # [B, HW, M]
    topv, topi = jax.lax.top_k(sm_t, TOPK)              # [B, HW, k]
    attn = jax.nn.softmax(topv, axis=-1)                # [B, HW, k]
    gathered = memory[topi]                             # [B, HW, k, C]
    mem_feat_flat = jnp.sum(attn[..., None] * gathered, axis=2)  # [B, HW, C]
    mem_feat = jnp.transpose(mem_feat_flat, (0, 2, 1)).reshape(b, c, h, w)
    # fusion 1x1 conv + leaky relu
    fused = jnp.concatenate([global_comp, mem_feat], axis=1)     # [B, 2C, H, W]
    y = jnp.einsum('bchw,oc->bohw', fused, W_fuse) + b_fuse[None, :, None, None]
    y = _leaky(y)
    # depthwise 3x3 dilated conv + leaky relu
    y = jax.lax.conv_general_dilated(
        y, W_dw, window_strides=(1, 1),
        padding=[(DIL, DIL), (DIL, DIL)],
        rhs_dilation=(DIL, DIL),
        dimension_numbers=('NCHW', 'OIHW', 'NCHW'),
        feature_group_count=c) + b_dw[None, :, None, None]
    y = _leaky(y)
    return y

if __name__ == "__main__":
    import jax
    _d = setup_inputs()
    print(jax.jit(kernel)(*tuple(_d.values())))

</pallas_src>

<mosaic_0001>
#map = affine_map<(d0, d1) -> (0, 0)>
module attributes {stable_mosaic.version = 14 : i64} {
  func.func @gather_k(%arg0: i32, %arg1: i32, %arg2: memref<1024x256xi32, #tpu.memory_space<hbm>>, %arg3: memref<64x128xi32, #tpu.memory_space<hbm>>, %arg4: memref<8192x256xi32, #tpu.memory_space<hbm>>, %arg5: memref<2x128xi32, #tpu.memory_space<vmem>>, %arg6: memref<128x256xi32, #tpu.memory_space<vmem>>, %arg7: memref<!tpu.dma_semaphore, #tpu.memory_space<semaphore_mem>>) attributes {dimension_semantics = [#tpu.dimension_semantics<core_parallel>, #tpu.dimension_semantics<subcore_parallel>], iteration_bounds = array<i64: 2, 16>, scalar_prefetch = 0 : i64, scratch_operands = 3 : i64, tpu.core_type = #tpu.core_type<sc_vector_subcore>, window_params = [{transform_indices = #map}, {transform_indices = #map}, {transform_indices = #map}]} {
    %mul3A = arith.constant 2 : i32
    %mul3A_0 = arith.muli %arg1, %mul3A : i32
    %add3A = arith.addi %mul3A_0, %arg0 : i32
    %mul3A_1 = arith.constant 2 : i32
    %mul3A_2 = arith.muli %add3A, %mul3A_1 : i32
    "tpu.region"() ({
      %run_scoped3A = tpu.sem_alloc : memref<!tpu.dma_semaphore, #tpu.memory_space<semaphore_mem>>
      %dma_start3A_37 = arith.constant 0 : i32
      %dma_start3A_38 = tpu.memref_slice %arg3[%mul3A_2, %dma_start3A_37] : memref<64x128xi32, #tpu.memory_space<hbm>> -> memref<2x128xi32, #tpu.memory_space<hbm>>
      %dma_start3A_39 = arith.constant 0 : i32
      %dma_start3A_40 = tpu.memref_slice %arg3[%mul3A_2, %dma_start3A_39] : memref<64x128xi32, #tpu.memory_space<hbm>> -> memref<2x128xi32, #tpu.memory_space<hbm>>
      tpu.enqueue_dma source(%dma_start3A_40 : memref<2x128xi32, #tpu.memory_space<hbm>>) target(%arg5 : memref<2x128xi32, #tpu.memory_space<vmem>>) target_semaphore(%run_scoped3A : memref<!tpu.dma_semaphore, #tpu.memory_space<semaphore_mem>>)
      %dma_wait3A_41 = arith.constant 0 : i32
      %dma_wait3A_42 = tpu.memref_slice %arg3[%mul3A_2, %dma_wait3A_41] : memref<64x128xi32, #tpu.memory_space<hbm>> -> memref<2x128xi32, #tpu.memory_space<hbm>>
      %dma_wait3A_43 = arith.constant 0 : i32
      %dma_wait3A_44 = tpu.memref_slice %arg3[%mul3A_2, %dma_wait3A_43] : memref<64x128xi32, #tpu.memory_space<hbm>> -> memref<2x128xi32, #tpu.memory_space<hbm>>
      tpu.wait_dma2 semaphore(%run_scoped3A : memref<!tpu.dma_semaphore, #tpu.memory_space<semaphore_mem>>) src(%dma_wait3A_44 : memref<2x128xi32, #tpu.memory_space<hbm>>) dst(%arg5 : memref<2x128xi32, #tpu.memory_space<vmem>>)
      tpu.yield
    }) : () -> ()
    %dma_start3A = arith.constant 0 : i32
    %dma_start3A_3 = arith.constant 0 : i32
    %dma_start3A_4 = tpu.memref_slice %arg5[%dma_start3A, %dma_start3A_3] : memref<2x128xi32, #tpu.memory_space<vmem>> -> memref<1x128xi32, #tpu.memory_space<vmem>>
    %dma_start3A_5 = tpu.memref_squeeze %dma_start3A_4 : memref<1x128xi32, #tpu.memory_space<vmem>> -> memref<128xi32, #tpu.memory_space<vmem>>
    %dma_start3A_6 = arith.constant 0 : i32
    %dma_start3A_7 = arith.constant 0 : i32
    %dma_start3A_8 = tpu.memref_slice %arg2[%dma_start3A_6, %dma_start3A_7] : memref<1024x256xi32, #tpu.memory_space<hbm>> -> memref<1024x256xi32, #tpu.memory_space<hbm>>
    tpu.enqueue_indirect_dma source(%dma_start3A_8 : memref<1024x256xi32, #tpu.memory_space<hbm>>) target(%arg6 : memref<128x256xi32, #tpu.memory_space<vmem>>) offsets(%dma_start3A_5 : memref<128xi32, #tpu.memory_space<vmem>>) semaphore(%arg7 : memref<!tpu.dma_semaphore, #tpu.memory_space<semaphore_mem>>)
    %dma_wait3A = arith.constant 0 : i32
    %dma_wait3A_9 = arith.constant 0 : i32
    %dma_wait3A_10 = tpu.memref_slice %arg5[%dma_wait3A, %dma_wait3A_9] : memref<2x128xi32, #tpu.memory_space<vmem>> -> memref<1x128xi32, #tpu.memory_space<vmem>>
    %dma_wait3A_11 = tpu.memref_squeeze %dma_wait3A_10 : memref<1x128xi32, #tpu.memory_space<vmem>> -> memref<128xi32, #tpu.memory_space<vmem>>
    %dma_wait3A_12 = arith.constant 0 : i32
    %dma_wait3A_13 = arith.constant 0 : i32
    %dma_wait3A_14 = tpu.memref_slice %arg2[%dma_wait3A_12, %dma_wait3A_13] : memref<1024x256xi32, #tpu.memory_space<hbm>> -> memref<1024x256xi32, #tpu.memory_space<hbm>>
    tpu.wait_indirect_dma semaphore(%arg7 : memref<!tpu.dma_semaphore, #tpu.memory_space<semaphore_mem>>) src(%dma_wait3A_14 : memref<1024x256xi32, #tpu.memory_space<hbm>>) dst(%arg6 : memref<128x256xi32, #tpu.memory_space<vmem>>)
    %add3A_15 = arith.constant 0 : i32
    %add3A_16 = arith.addi %mul3A_2, %add3A_15 : i32
    %mul3A_17 = arith.constant 128 : i32
    %mul3A_18 = arith.muli %add3A_16, %mul3A_17 : i32
    "tpu.region"() ({
      %run_scoped3A = tpu.sem_alloc : memref<!tpu.dma_semaphore, #tpu.memory_space<semaphore_mem>>
      %dma_start3A_37 = arith.constant 0 : i32
      %dma_start3A_38 = tpu.memref_slice %arg4[%mul3A_18, %dma_start3A_37] : memref<8192x256xi32, #tpu.memory_space<hbm>> -> memref<128x256xi32, #tpu.memory_space<hbm>>
      %dma_start3A_39 = arith.constant 0 : i32
      %dma_start3A_40 = tpu.memref_slice %arg4[%mul3A_18, %dma_start3A_39] : memref<8192x256xi32, #tpu.memory_space<hbm>> -> memref<128x256xi32, #tpu.memory_space<hbm>>
      tpu.enqueue_dma source(%arg6 : memref<128x256xi32, #tpu.memory_space<vmem>>) target(%dma_start3A_40 : memref<128x256xi32, #tpu.memory_space<hbm>>) target_semaphore(%run_scoped3A : memref<!tpu.dma_semaphore, #tpu.memory_space<semaphore_mem>>)
      %dma_wait3A_41 = arith.constant 0 : i32
      %dma_wait3A_42 = tpu.memref_slice %arg4[%mul3A_18, %dma_wait3A_41] : memref<8192x256xi32, #tpu.memory_space<hbm>> -> memref<128x256xi32, #tpu.memory_space<hbm>>
      %dma_wait3A_43 = arith.constant 0 : i32
      %dma_wait3A_44 = tpu.memref_slice %arg4[%mul3A_18, %dma_wait3A_43] : memref<8192x256xi32, #tpu.memory_space<hbm>> -> memref<128x256xi32, #tpu.memory_space<hbm>>
      tpu.wait_dma2 semaphore(%run_scoped3A : memref<!tpu.dma_semaphore, #tpu.memory_space<semaphore_mem>>) src(%arg6 : memref<128x256xi32, #tpu.memory_space<vmem>>) dst(%dma_wait3A_44 : memref<128x256xi32, #tpu.memory_space<hbm>>)
      tpu.yield
    }) : () -> ()
    %dma_start3A_19 = arith.constant 1 : i32
    %dma_start3A_20 = arith.constant 0 : i32
    %dma_start3A_21 = tpu.memref_slice %arg5[%dma_start3A_19, %dma_start3A_20] : memref<2x128xi32, #tpu.memory_space<vmem>> -> memref<1x128xi32, #tpu.memory_space<vmem>>
    %dma_start3A_22 = tpu.memref_squeeze %dma_start3A_21 : memref<1x128xi32, #tpu.memory_space<vmem>> -> memref<128xi32, #tpu.memory_space<vmem>>
    %dma_start3A_23 = arith.constant 0 : i32
    %dma_start3A_24 = arith.constant 0 : i32
    %dma_start3A_25 = tpu.memref_slice %arg2[%dma_start3A_23, %dma_start3A_24] : memref<1024x256xi32, #tpu.memory_space<hbm>> -> memref<1024x256xi32, #tpu.memory_space<hbm>>
    tpu.enqueue_indirect_dma source(%dma_start3A_25 : memref<1024x256xi32, #tpu.memory_space<hbm>>) target(%arg6 : memref<128x256xi32, #tpu.memory_space<vmem>>) offsets(%dma_start3A_22 : memref<128xi32, #tpu.memory_space<vmem>>) semaphore(%arg7 : memref<!tpu.dma_semaphore, #tpu.memory_space<semaphore_mem>>)
    %dma_wait3A_26 = arith.constant 1 : i32
    %dma_wait3A_27 = arith.constant 0 : i32
    %dma_wait3A_28 = tpu.memref_slice %arg5[%dma_wait3A_26, %dma_wait3A_27] : memref<2x128xi32, #tpu.memory_space<vmem>> -> memref<1x128xi32, #tpu.memory_space<vmem>>
    %dma_wait3A_29 = tpu.memref_squeeze %dma_wait3A_28 : memref<1x128xi32, #tpu.memory_space<vmem>> -> memref<128xi32, #tpu.memory_space<vmem>>
    %dma_wait3A_30 = arith.constant 0 : i32
    %dma_wait3A_31 = arith.constant 0 : i32
    %dma_wait3A_32 = tpu.memref_slice %arg2[%dma_wait3A_30, %dma_wait3A_31] : memref<1024x256xi32, #tpu.memory_space<hbm>> -> memref<1024x256xi32, #tpu.memory_space<hbm>>
    tpu.wait_indirect_dma semaphore(%arg7 : memref<!tpu.dma_semaphore, #tpu.memory_space<semaphore_mem>>) src(%dma_wait3A_32 : memref<1024x256xi32, #tpu.memory_space<hbm>>) dst(%arg6 : memref<128x256xi32, #tpu.memory_space<vmem>>)
    %add3A_33 = arith.constant 1 : i32
    %add3A_34 = arith.addi %mul3A_2, %add3A_33 : i32
    %mul3A_35 = arith.constant 128 : i32
    %mul3A_36 = arith.muli %add3A_34, %mul3A_35 : i32
    "tpu.region"() ({
      %run_scoped3A = tpu.sem_alloc : memref<!tpu.dma_semaphore, #tpu.memory_space<semaphore_mem>>
      %dma_start3A_37 = arith.constant 0 : i32
      %dma_start3A_38 = tpu.memref_slice %arg4[%mul3A_36, %dma_start3A_37] : memref<8192x256xi32, #tpu.memory_space<hbm>> -> memref<128x256xi32, #tpu.memory_space<hbm>>
      %dma_start3A_39 = arith.constant 0 : i32
      %dma_start3A_40 = tpu.memref_slice %arg4[%mul3A_36, %dma_start3A_39] : memref<8192x256xi32, #tpu.memory_space<hbm>> -> memref<128x256xi32, #tpu.memory_space<hbm>>
      tpu.enqueue_dma source(%arg6 : memref<128x256xi32, #tpu.memory_space<vmem>>) target(%dma_start3A_40 : memref<128x256xi32, #tpu.memory_space<hbm>>) target_semaphore(%run_scoped3A : memref<!tpu.dma_semaphore, #tpu.memory_space<semaphore_mem>>)
      %dma_wait3A_41 = arith.constant 0 : i32
      %dma_wait3A_42 = tpu.memref_slice %arg4[%mul3A_36, %dma_wait3A_41] : memref<8192x256xi32, #tpu.memory_space<hbm>> -> memref<128x256xi32, #tpu.memory_space<hbm>>
      %dma_wait3A_43 = arith.constant 0 : i32
      %dma_wait3A_44 = tpu.memref_slice %arg4[%mul3A_36, %dma_wait3A_43] : memref<8192x256xi32, #tpu.memory_space<hbm>> -> memref<128x256xi32, #tpu.memory_space<hbm>>
      tpu.wait_dma2 semaphore(%run_scoped3A : memref<!tpu.dma_semaphore, #tpu.memory_space<semaphore_mem>>) src(%arg6 : memref<128x256xi32, #tpu.memory_space<vmem>>) dst(%dma_wait3A_44 : memref<128x256xi32, #tpu.memory_space<hbm>>)
      tpu.yield
    }) : () -> ()
    return
  }
}

module attributes {stable_mosaic.version = 14 : i64} {
  func.func @_score_body(%arg0: i32, %arg1: memref<1x384x1024xf32, #tpu.memory_space<vmem>>, %arg2: memref<1024x384xf32, #tpu.memory_space<vmem>>, %arg3: memref<384x768xf32, #tpu.memory_space<vmem>>, %arg4: memref<1x1024x384xf32, #tpu.memory_space<vmem>>, %arg5: memref<2x1x1x1024xi32, #tpu.memory_space<vmem>>, %arg6: memref<1x1x1024xf32, #tpu.memory_space<vmem>>, %arg7: memref<1024x256xi32, #tpu.memory_space<vmem>>) attributes {dimension_semantics = [#tpu.dimension_semantics<arbitrary>], iteration_bounds = array<i64: 4>, scalar_prefetch = 0 : i64, scratch_operands = 0 : i64, tpu.core_type = #tpu.core_type<tc>, window_params = [{transform_indices = @transform_0, window_bounds = array<i64: 1, 384, 1024>}, {pipeline_mode = #tpu.pipeline_mode<synchronous>, transform_indices = @transform_1, window_bounds = array<i64: 1024, 384>}, {pipeline_mode = #tpu.pipeline_mode<synchronous>, transform_indices = @transform_2, window_bounds = array<i64: 384, 768>}, {transform_indices = @transform_3, window_bounds = array<i64: 1, 1024, 384>}, {transform_indices = @transform_4, window_bounds = array<i64: 2, 1, 1, 1024>}, {transform_indices = @transform_5, window_bounds = array<i64: 1, 1, 1024>}, {pipeline_mode = #tpu.pipeline_mode<synchronous>, transform_indices = @transform_6, window_bounds = array<i64: 1024, 256>}]} {
    %get3A = arith.constant 0 : index
    %get3A_0 = arith.constant 0 : index
    %get3A_1 = vector.load %arg2[%get3A, %get3A_0] : memref<1024x384xf32, #tpu.memory_space<vmem>>, vector<1024x384xf32>
    %get3A_2 = arith.constant 0 : index
    %get3A_3 = arith.constant 0 : index
    %get3A_4 = arith.constant 0 : index
    %get3A_5 = vector.load %arg1[%get3A_2, %get3A_3, %get3A_4] : memref<1x384x1024xf32, #tpu.memory_space<vmem>>, vector<1x384x1024xf32>
    %get3A_6 = vector.shape_cast %get3A_5 : vector<1x384x1024xf32> to vector<384x1024xf32>
    %transpose3A = tpu.transpose %get3A_6, [1, 0] : vector<384x1024xf32> -> vector<1024x384xf32>
    %eq3A = arith.constant 0 : i32
    %eq3A_7 = arith.cmpi eq, %arg0, %eq3A : i32
    %convert_element_type3A = arith.extui %eq3A_7 : i1 to i32
    %cond3A = arith.constant 0 : i32
    %cond3A_8 = arith.cmpi ne, %convert_element_type3A, %cond3A : i32
    scf.if %cond3A_8 {
      %get3A_100 = arith.constant 0 : index
      %get3A_101 = arith.constant 384 : index
      %get3A_102 = vector.load %arg3[%get3A_100, %get3A_101] : memref<384x768xf32, #tpu.memory_space<vmem>>, vector<384x384xf32>
      %dot_general3A_103 = arith.constant dense<0.000000e+00> : vector<1024x384xf32>
      %dot_general3A_104 = tpu.matmul %get3A_1, %get3A_102, %dot_general3A_103 {dimension_numbers = #tpu.dot_dimension_numbers<[1], [1], [0], [0], [0, 0, 1, 0], [], []>, transpose_lhs_hint = false} : vector<1024x384xf32>, vector<384x384xf32>, vector<1024x384xf32> -> vector<1024x384xf32>
      %convert_element_type3A_105 = arith.truncf %dot_general3A_104 : vector<1024x384xf32> to vector<1024x384xbf16>
      %slice3A = vector.extract_strided_slice %convert_element_type3A_105 {offsets = [0, 0], sizes = [1024, 192], strides = [1, 1]} : vector<1024x384xbf16> to vector<1024x192xbf16>
      %bitcast_convert_type3A = tpu.bitcast %slice3A : vector<1024x192xbf16> -> vector<1024x192xi16>
      %convert_element_type3A_106 = arith.extui %bitcast_convert_type3A : vector<1024x192xi16> to vector<1024x192xi32>
      %slice3A_107 = vector.extract_strided_slice %convert_element_type3A_105 {offsets = [0, 192], sizes = [1024, 192], strides = [1, 1]} : vector<1024x384xbf16> to vector<1024x192xbf16>
      %bitcast_convert_type3A_108 = tpu.bitcast %slice3A_107 : vector<1024x192xbf16> -> vector<1024x192xi16>
      %convert_element_type3A_109 = arith.extui %bitcast_convert_type3A_108 : vector<1024x192xi16> to vector<1024x192xi32>
      %shift_left3A = arith.constant 16 : i32
      %shift_left3A_110 = vector.broadcast %shift_left3A : i32 to vector<1024x192xi32>
      %shift_left3A_111 = arith.shli %convert_element_type3A_109, %shift_left3A_110 : vector<1024x192xi32>
      %or3A = arith.ori %convert_element_type3A_106, %shift_left3A_111 : vector<1024x192xi32>
      %broadcast_in_dim3A_112 = arith.constant 0 : i32
      %broadcast_in_dim3A_113 = vector.broadcast %broadcast_in_dim3A_112 : i32 to vector<1024x64xi32>
      %concatenate3A = tpu.concatenate %or3A, %broadcast_in_dim3A_113 in 1 : vector<1024x192xi32>, vector<1024x64xi32> -> vector<1024x256xi32>
      %swap3A_114 = arith.constant 0 : index
      %swap3A_115 = arith.constant 0 : index
      %swap3A_116 = vector.load %arg7[%swap3A_114, %swap3A_115] : memref<1024x256xi32, #tpu.memory_space<vmem>>, vector<1024x256xi32>
      tpu.vector_store %arg7[%swap3A_114, %swap3A_115], %concatenate3A {strides = array<i32>} : memref<1024x256xi32, #tpu.memory_space<vmem>>, vector<1024x256xi32>,
    } else {
    }
    %reduce_sum3A = arith.constant dense<0.000000e+00> : vector<384xf32>
    %reduce_sum3A_9 = vector.multi_reduction <add>, %transpose3A, %reduce_sum3A [0] : vector<1024x384xf32> to vector<384xf32>
    %broadcast_in_dim3A = vector.shape_cast %reduce_sum3A_9 : vector<384xf32> to vector<1x384xf32>
    %div3A = arith.constant 1.024000e+03 : f32
    %div3A_10 = vector.broadcast %div3A : f32 to vector<1x384xf32>
    %div3A_11 = arith.divf %broadcast_in_dim3A, %div3A_10 : vector<1x384xf32>
    %dot_general3A = arith.constant dense<0.000000e+00> : vector<1x1024xf32>
    %dot_general3A_12 = tpu.matmul %div3A_11, %get3A_1, %dot_general3A {dimension_numbers = #tpu.dot_dimension_numbers<[1], [1], [0], [0], [0, 0, 1, 0], [], []>, transpose_lhs_hint = false} : vector<1x384xf32>, vector<1024x384xf32>, vector<1x1024xf32> -> vector<1x1024xf32>
    %reduce_max3A = arith.constant dense<0xFF800000> : vector<1xf32>
    %reduce_max3A_13 = vector.multi_reduction <maximumf>, %dot_general3A_12, %reduce_max3A [1] : vector<1x1024xf32> to vector<1xf32>
    %broadcast_in_dim3A_14 = vector.shape_cast %reduce_max3A_13 : vector<1xf32> to vector<1x1xf32>
    %sub3A = vector.broadcast %broadcast_in_dim3A_14 : vector<1x1xf32> to vector<1x1024xf32>
    %sub3A_15 = arith.subf %dot_general3A_12, %sub3A : vector<1x1024xf32>
    %exp3A = math.exp %sub3A_15 : vector<1x1024xf32>
    %reduce_sum3A_16 = arith.constant dense<0.000000e+00> : vector<1xf32>
    %reduce_sum3A_17 = vector.multi_reduction <add>, %exp3A, %reduce_sum3A_16 [1] : vector<1x1024xf32> to vector<1xf32>
    %broadcast_in_dim3A_18 = vector.shape_cast %reduce_sum3A_17 : vector<1xf32> to vector<1x1xf32>
    %div3A_19 = vector.broadcast %broadcast_in_dim3A_18 : vector<1x1xf32> to vector<1x1024xf32>
    %div3A_20 = arith.divf %exp3A, %div3A_19 : vector<1x1024xf32>
    %dot_general3A_21 = arith.constant dense<0.000000e+00> : vector<1x384xf32>
    %dot_general3A_22 = tpu.matmul %div3A_20, %get3A_1, %dot_general3A_21 {dimension_numbers = #tpu.dot_dimension_numbers<[1], [0], [0], [1], [0, 0, 1, 1], [], []>, transpose_lhs_hint = false} : vector<1x1024xf32>, vector<1024x384xf32>, vector<1x384xf32> -> vector<1x384xf32>
    %add3A = arith.addf %dot_general3A_22, %div3A_11 : vector<1x384xf32>
    %neg3A = arith.constant 0.000000e+00 : f32
    %neg3A_23 = vector.broadcast %neg3A : f32 to vector<1x384xf32>
    %neg3A_24 = arith.subf %neg3A_23, %add3A : vector<1x384xf32>
    %exp3A_25 = math.exp %neg3A_24 : vector<1x384xf32>
    %add3A_26 = arith.constant 1.000000e+00 : f32
    %add3A_27 = vector.broadcast %add3A_26 : f32 to vector<1x384xf32>
    %add3A_28 = arith.addf %add3A_27, %exp3A_25 : vector<1x384xf32>
    %div3A_29 = arith.constant 1.000000e+00 : f32
    %div3A_30 = vector.broadcast %div3A_29 : f32 to vector<1x384xf32>
    %div3A_31 = arith.divf %div3A_30, %add3A_28 : vector<1x384xf32>
    %mul3A = vector.broadcast %div3A_31 : vector<1x384xf32> to vector<1024x384xf32>
    %mul3A_32 = arith.mulf %transpose3A, %mul3A : vector<1024x384xf32>
    %get3A_33 = arith.constant 0 : index
    %get3A_34 = arith.constant 0 : index
    %get3A_35 = vector.load %arg3[%get3A_33, %get3A_34] : memref<384x768xf32, #tpu.memory_space<vmem>>, vector<384x384xf32>
    %dot_general3A_36 = arith.constant dense<0.000000e+00> : vector<1024x384xf32>
    %dot_general3A_37 = tpu.matmul %mul3A_32, %get3A_35, %dot_general3A_36 {dimension_numbers = #tpu.dot_dimension_numbers<[1], [1], [0], [0], [0, 0, 1, 0], [], []>, transpose_lhs_hint = false} : vector<1024x384xf32>, vector<384x384xf32>, vector<1024x384xf32> -> vector<1024x384xf32>
    %swap3A = arith.constant 0 : index
    %swap3A_38 = arith.constant 0 : index
    %swap3A_39 = arith.constant 0 : index
    %swap3A_40 = vector.load %arg4[%swap3A, %swap3A_38, %swap3A_39] : memref<1x1024x384xf32, #tpu.memory_space<vmem>>, vector<1x1024x384xf32>
    %swap3A_41 = vector.shape_cast %swap3A_40 : vector<1x1024x384xf32> to vector<1024x384xf32>
    %swap3A_42 = vector.shape_cast %dot_general3A_37 : vector<1024x384xf32> to vector<1x1024x384xf32>
    tpu.vector_store %arg4[%swap3A, %swap3A_38, %swap3A_39], %swap3A_42 {strides = array<i32>} : memref<1x1024x384xf32, #tpu.memory_space<vmem>>, vector<1x1024x384xf32>,
    %dot_general3A_43 = arith.constant dense<0.000000e+00> : vector<1024x1024xf32>
    %dot_general3A_44 = tpu.matmul %transpose3A, %get3A_1, %dot_general3A_43 {dimension_numbers = #tpu.dot_dimension_numbers<[1], [1], [0], [0], [0, 0, 1, 0], [], []>, transpose_lhs_hint = false} : vector<1024x384xf32>, vector<1024x384xf32>, vector<1024x1024xf32> -> vector<1024x1024xf32>
    %iota3A = tpu.iota {dimensions = array<i32: 1>} : vector<1024x1024xi32>
    %reduce_max3A_45 = arith.constant dense<0xFF800000> : vector<1024xf32>
    %reduce_max3A_46 = vector.multi_reduction <maximumf>, %dot_general3A_44, %reduce_max3A_45 [1] : vector<1024x1024xf32> to vector<1024xf32>
    %broadcast_in_dim3A_47 = vector.shape_cast %reduce_max3A_46 : vector<1024xf32> to vector<1024x1xf32>
    %eq3A_48 = vector.broadcast %broadcast_in_dim3A_47 : vector<1024x1xf32> to vector<1024x1024xf32>
    %eq3A_49 = arith.cmpf oeq, %dot_general3A_44, %eq3A_48 : vector<1024x1024xf32>
    %jit3A = arith.constant 1024 : i32
    %broadcast_in_dim3A_50 = vector.broadcast %jit3A : i32 to vector<1024x1024xi32>
    %select_n3A = arith.select %eq3A_49, %iota3A, %broadcast_in_dim3A_50 : vector<1024x1024xi1>, vector<1024x1024xi32>
    %reduce_min3A = arith.constant dense<2147483647> : vector<1024xi32>
    %reduce_min3A_51 = vector.multi_reduction <minsi>, %select_n3A, %reduce_min3A [1] : vector<1024x1024xi32> to vector<1024xi32>
    %broadcast_in_dim3A_52 = vector.shape_cast %reduce_min3A_51 : vector<1024xi32> to vector<1024x1xi32>
    %eq3A_53 = vector.broadcast %broadcast_in_dim3A_52 : vector<1024x1xi32> to vector<1024x1024xi32>
    %eq3A_54 = arith.cmpi eq, %iota3A, %eq3A_53 : vector<1024x1024xi32>
    %jit3A_55 = arith.constant 0xFF800000 : f32
    %broadcast_in_dim3A_56 = vector.broadcast %jit3A_55 : f32 to vector<1024x1024xf32>
    %select_n3A_57 = arith.select %eq3A_54, %broadcast_in_dim3A_56, %dot_general3A_44 : vector<1024x1024xi1>, vector<1024x1024xf32>
    %reduce_max3A_58 = arith.constant dense<0xFF800000> : vector<1024xf32>
    %reduce_max3A_59 = vector.multi_reduction <maximumf>, %select_n3A_57, %reduce_max3A_58 [1] : vector<1024x1024xf32> to vector<1024xf32>
    %broadcast_in_dim3A_60 = vector.shape_cast %reduce_max3A_59 : vector<1024xf32> to vector<1024x1xf32>
    %eq3A_61 = vector.broadcast %broadcast_in_dim3A_60 : vector<1024x1xf32> to vector<1024x1024xf32>
    %eq3A_62 = arith.cmpf oeq, %select_n3A_57, %eq3A_61 : vector<1024x1024xf32>
    %jit3A_63 = arith.constant 1024 : i32
    %broadcast_in_dim3A_64 = vector.broadcast %jit3A_63 : i32 to vector<1024x1024xi32>
    %select_n3A_65 = arith.select %eq3A_62, %iota3A, %broadcast_in_dim3A_64 : vector<1024x1024xi1>, vector<1024x1024xi32>
    %reduce_min3A_66 = arith.constant dense<2147483647> : vector<1024xi32>
    %reduce_min3A_67 = vector.multi_reduction <minsi>, %select_n3A_65, %reduce_min3A_66 [1] : vector<1024x1024xi32> to vector<1024xi32>
    %broadcast_in_dim3A_68 = vector.shape_cast %reduce_min3A_67 : vector<1024xi32> to vector<1024x1xi32>
    %sub3A_69 = arith.subf %broadcast_in_dim3A_60, %broadcast_in_dim3A_47 : vector<1024x1xf32>
    %exp3A_70 = math.exp %sub3A_69 : vector<1024x1xf32>
    %transpose3A_71 = tpu.transpose %broadcast_in_dim3A_52, [1, 0] : vector<1024x1xi32> -> vector<1x1024xi32>
    %swap3A_72 = arith.constant 0 : index
    %swap3A_73 = arith.constant 0 : index
    %swap3A_74 = arith.constant 0 : index
    %swap3A_75 = arith.constant 0 : index
    %swap3A_76 = vector.load %arg5[%swap3A_72, %swap3A_73, %swap3A_74, %swap3A_75] : memref<2x1x1x1024xi32, #tpu.memory_space<vmem>>, vector<1x1x1x1024xi32>
    %swap3A_77 = vector.shape_cast %swap3A_76 : vector<1x1x1x1024xi32> to vector<1x1024xi32>
    %swap3A_78 = vector.shape_cast %transpose3A_71 : vector<1x1024xi32> to vector<1x1x1x1024xi32>
    tpu.vector_store %arg5[%swap3A_72, %swap3A_73, %swap3A_74, %swap3A_75], %swap3A_78 {strides = array<i32>} : memref<2x1x1x1024xi32, #tpu.memory_space<vmem>>, vector<1x1x1x1024xi32>,
    %transpose3A_79 = tpu.transpose %broadcast_in_dim3A_68, [1, 0] : vector<1024x1xi32> -> vector<1x1024xi32>
    %swap3A_80 = arith.constant 1 : index
    %swap3A_81 = arith.constant 0 : index
    %swap3A_82 = arith.constant 0 : index
    %swap3A_83 = arith.constant 0 : index
    %swap3A_84 = vector.load %arg5[%swap3A_80, %swap3A_81, %swap3A_82, %swap3A_83] : memref<2x1x1x1024xi32, #tpu.memory_space<vmem>>, vector<1x1x1x1024xi32>
    %swap3A_85 = vector.shape_cast %swap3A_84 : vector<1x1x1x1024xi32> to vector<1x1024xi32>
    %swap3A_86 = vector.shape_cast %transpose3A_79 : vector<1x1024xi32> to vector<1x1x1x1024xi32>
    tpu.vector_store %arg5[%swap3A_80, %swap3A_81, %swap3A_82, %swap3A_83], %swap3A_86 {strides = array<i32>} : memref<2x1x1x1024xi32, #tpu.memory_space<vmem>>, vector<1x1x1x1024xi32>,
    %add3A_87 = arith.constant 1.000000e+00 : f32
    %add3A_88 = vector.broadcast %add3A_87 : f32 to vector<1024x1xf32>
    %add3A_89 = arith.addf %add3A_88, %exp3A_70 : vector<1024x1xf32>
    %div3A_90 = arith.constant 1.000000e+00 : f32
    %div3A_91 = vector.broadcast %div3A_90 : f32 to vector<1024x1xf32>
    %div3A_92 = arith.divf %div3A_91, %add3A_89 : vector<1024x1xf32>
    %transpose3A_93 = tpu.transpose %div3A_92, [1, 0] : vector<1024x1xf32> -> vector<1x1024xf32>
    %swap3A_94 = arith.constant 0 : index
    %swap3A_95 = arith.constant 0 : index
    %swap3A_96 = arith.constant 0 : index
    %swap3A_97 = vector.load %arg6[%swap3A_94, %swap3A_95, %swap3A_96] : memref<1x1x1024xf32, #tpu.memory_space<vmem>>, vector<1x1x1024xf32>
    %swap3A_98 = vector.shape_cast %swap3A_97 : vector<1x1x1024xf32> to vector<1x1024xf32>
    %swap3A_99 = vector.shape_cast %transpose3A_93 : vector<1x1024xf32> to vector<1x1x1024xf32>
    tpu.vector_store %arg6[%swap3A_94, %swap3A_95, %swap3A_96], %swap3A_99 {strides = array<i32>} : memref<1x1x1024xf32, #tpu.memory_space<vmem>>, vector<1x1x1024xf32>,
    return
  }
  func.func @transform_0(%arg0: i32) -> (i32, i32, i32) {
    %add3A = arith.constant 0 : i32
    %add3A_0 = arith.addi %add3A, %arg0 : i32
    %c0_i32 = arith.constant 0 : i32
    %c0_i32_1 = arith.constant 0 : i32
    %c0_i32_2 = arith.constant 0 : i32
    return %add3A_0, %c0_i32, %c0_i32_1 : i32, i32, i32
  }
  func.func @transform_1(%arg0: i32) -> (i32, i32) {
    %c0_i32 = arith.constant 0 : i32
    %c0_i32_0 = arith.constant 0 : i32
    %c0_i32_1 = arith.constant 0 : i32
    return %c0_i32, %c0_i32_0 : i32, i32
  }
  func.func @transform_2(%arg0: i32) -> (i32, i32) {
    %c0_i32 = arith.constant 0 : i32
    %c0_i32_0 = arith.constant 0 : i32
    %c0_i32_1 = arith.constant 0 : i32
    return %c0_i32, %c0_i32_0 : i32, i32
  }
  func.func @transform_3(%arg0: i32) -> (i32, i32, i32) {
    %c0_i32 = arith.constant 0 : i32
    %c0_i32_0 = arith.constant 0 : i32
    %c0_i32_1 = arith.constant 0 : i32
    return %arg0, %c0_i32, %c0_i32_0 : i32, i32, i32
  }
  func.func @transform_4(%arg0: i32) -> (i32, i32, i32, i32) {
    %c0_i32 = arith.constant 0 : i32
    %c0_i32_0 = arith.constant 0 : i32
    %c0_i32_1 = arith.constant 0 : i32
    %c0_i32_2 = arith.constant 0 : i32
    return %c0_i32, %arg0, %c0_i32_0, %c0_i32_1 : i32, i32, i32, i32
  }
  func.func @transform_5(%arg0: i32) -> (i32, i32, i32) {
    %c0_i32 = arith.constant 0 : i32
    %c0_i32_0 = arith.constant 0 : i32
    %c0_i32_1 = arith.constant 0 : i32
    return %arg0, %c0_i32, %c0_i32_0 : i32, i32, i32
  }
  func.func @transform_6(%arg0: i32) -> (i32, i32) {
    %c0_i32 = arith.constant 0 : i32
    %c0_i32_0 = arith.constant 0 : i32
    %c0_i32_1 = arith.constant 0 : i32
    return %c0_i32, %c0_i32_0 : i32, i32
  }
}

module attributes {stable_mosaic.version = 14 : i64} {
  func.func @_fuse_body(%arg0: i32, %arg1: memref<1x1024x384xf32, #tpu.memory_space<vmem>>, %arg2: memref<1x1x1024x256xi32, #tpu.memory_space<vmem>>, %arg3: memref<1x1x1024x256xi32, #tpu.memory_space<vmem>>, %arg4: memref<1x1x1024xf32, #tpu.memory_space<vmem>>, %arg5: memref<1x384xf32, #tpu.memory_space<vmem>>, %arg6: memref<9x384xf32, #tpu.memory_space<vmem>>, %arg7: memref<1x384xf32, #tpu.memory_space<vmem>>, %arg8: memref<1x32x32x384xf32, #tpu.memory_space<vmem>>) attributes {dimension_semantics = [#tpu.dimension_semantics<arbitrary>], iteration_bounds = array<i64: 4>, scalar_prefetch = 0 : i64, scratch_operands = 0 : i64, tpu.core_type = #tpu.core_type<tc>, window_params = [{transform_indices = @transform_0, window_bounds = array<i64: 1, 1024, 384>}, {transform_indices = @transform_1, window_bounds = array<i64: 1, 1, 1024, 256>}, {transform_indices = @transform_2, window_bounds = array<i64: 1, 1, 1024, 256>}, {transform_indices = @transform_3, window_bounds = array<i64: 1, 1, 1024>}, {pipeline_mode = #tpu.pipeline_mode<synchronous>, transform_indices = @transform_4, window_bounds = array<i64: 1, 384>}, {pipeline_mode = #tpu.pipeline_mode<synchronous>, transform_indices = @transform_5, window_bounds = array<i64: 9, 384>}, {pipeline_mode = #tpu.pipeline_mode<synchronous>, transform_indices = @transform_6, window_bounds = array<i64: 1, 384>}, {transform_indices = @transform_7, window_bounds = array<i64: 1, 32, 32, 384>}]} {
    %get3A = arith.constant 0 : index
    %get3A_0 = arith.constant 0 : index
    %get3A_1 = arith.constant 0 : index
    %get3A_2 = vector.load %arg4[%get3A, %get3A_0, %get3A_1] : memref<1x1x1024xf32, #tpu.memory_space<vmem>>, vector<1x1x1024xf32>
    %get3A_3 = vector.shape_cast %get3A_2 : vector<1x1x1024xf32> to vector<1x1024xf32>
    %transpose3A = tpu.transpose %get3A_3, [1, 0] : vector<1x1024xf32> -> vector<1024x1xf32>
    %get3A_4 = arith.constant 0 : index
    %get3A_5 = arith.constant 0 : index
    %get3A_6 = arith.constant 0 : index
    %get3A_7 = arith.constant 0 : index
    %get3A_8 = vector.load %arg2[%get3A_4, %get3A_5, %get3A_6, %get3A_7] : memref<1x1x1024x256xi32, #tpu.memory_space<vmem>>, vector<1x1x1024x256xi32>
    %get3A_9 = vector.shape_cast %get3A_8 : vector<1x1x1024x256xi32> to vector<1024x256xi32>
    %slice3A = vector.extract_strided_slice %get3A_9 {offsets = [0, 0], sizes = [1024, 192], strides = [1, 1]} : vector<1024x256xi32> to vector<1024x192xi32>
    %and3A = arith.constant 65535 : i32
    %and3A_10 = vector.broadcast %and3A : i32 to vector<1024x192xi32>
    %and3A_11 = arith.andi %slice3A, %and3A_10 : vector<1024x192xi32>
    %convert_element_type3A = arith.trunci %and3A_11 : vector<1024x192xi32> to vector<1024x192xi16>
    %bitcast_convert_type3A = tpu.bitcast %convert_element_type3A : vector<1024x192xi16> -> vector<1024x192xbf16>
    %convert_element_type3A_12 = arith.extf %bitcast_convert_type3A : vector<1024x192xbf16> to vector<1024x192xf32>
    %shift_right_logical3A = arith.constant 16 : i32
    %shift_right_logical3A_13 = vector.broadcast %shift_right_logical3A : i32 to vector<1024x192xi32>
    %shift_right_logical3A_14 = arith.shrui %slice3A, %shift_right_logical3A_13 : vector<1024x192xi32>
    %convert_element_type3A_15 = arith.trunci %shift_right_logical3A_14 : vector<1024x192xi32> to vector<1024x192xi16>
    %bitcast_convert_type3A_16 = tpu.bitcast %convert_element_type3A_15 : vector<1024x192xi16> -> vector<1024x192xbf16>
    %convert_element_type3A_17 = arith.extf %bitcast_convert_type3A_16 : vector<1024x192xbf16> to vector<1024x192xf32>
    %concatenate3A = tpu.concatenate %convert_element_type3A_12, %convert_element_type3A_17 in 1 : vector<1024x192xf32>, vector<1024x192xf32> -> vector<1024x384xf32>
    %get3A_18 = arith.constant 0 : index
    %get3A_19 = arith.constant 0 : index
    %get3A_20 = arith.constant 0 : index
    %get3A_21 = arith.constant 0 : index
    %get3A_22 = vector.load %arg3[%get3A_18, %get3A_19, %get3A_20, %get3A_21] : memref<1x1x1024x256xi32, #tpu.memory_space<vmem>>, vector<1x1x1024x256xi32>
    %get3A_23 = vector.shape_cast %get3A_22 : vector<1x1x1024x256xi32> to vector<1024x256xi32>
    %slice3A_24 = vector.extract_strided_slice %get3A_23 {offsets = [0, 0], sizes = [1024, 192], strides = [1, 1]} : vector<1024x256xi32> to vector<1024x192xi32>
    %and3A_25 = arith.constant 65535 : i32
    %and3A_26 = vector.broadcast %and3A_25 : i32 to vector<1024x192xi32>
    %and3A_27 = arith.andi %slice3A_24, %and3A_26 : vector<1024x192xi32>
    %convert_element_type3A_28 = arith.trunci %and3A_27 : vector<1024x192xi32> to vector<1024x192xi16>
    %bitcast_convert_type3A_29 = tpu.bitcast %convert_element_type3A_28 : vector<1024x192xi16> -> vector<1024x192xbf16>
    %convert_element_type3A_30 = arith.extf %bitcast_convert_type3A_29 : vector<1024x192xbf16> to vector<1024x192xf32>
    %shift_right_logical3A_31 = arith.constant 16 : i32
    %shift_right_logical3A_32 = vector.broadcast %shift_right_logical3A_31 : i32 to vector<1024x192xi32>
    %shift_right_logical3A_33 = arith.shrui %slice3A_24, %shift_right_logical3A_32 : vector<1024x192xi32>
    %convert_element_type3A_34 = arith.trunci %shift_right_logical3A_33 : vector<1024x192xi32> to vector<1024x192xi16>
    %bitcast_convert_type3A_35 = tpu.bitcast %convert_element_type3A_34 : vector<1024x192xi16> -> vector<1024x192xbf16>
    %convert_element_type3A_36 = arith.extf %bitcast_convert_type3A_35 : vector<1024x192xbf16> to vector<1024x192xf32>
    %concatenate3A_37 = tpu.concatenate %convert_element_type3A_30, %convert_element_type3A_36 in 1 : vector<1024x192xf32>, vector<1024x192xf32> -> vector<1024x384xf32>
    %get3A_38 = arith.constant 0 : index
    %get3A_39 = arith.constant 0 : index
    %get3A_40 = arith.constant 0 : index
    %get3A_41 = vector.load %arg1[%get3A_38, %get3A_39, %get3A_40] : memref<1x1024x384xf32, #tpu.memory_space<vmem>>, vector<1x1024x384xf32>
    %get3A_42 = vector.shape_cast %get3A_41 : vector<1x1024x384xf32> to vector<1024x384xf32>
    %mul3A = vector.broadcast %transpose3A : vector<1024x1xf32> to vector<1024x384xf32>
    %mul3A_43 = arith.mulf %mul3A, %concatenate3A : vector<1024x384xf32>
    %add3A = arith.addf %get3A_42, %mul3A_43 : vector<1024x384xf32>
    %sub3A = arith.constant 1.000000e+00 : f32
    %sub3A_44 = vector.broadcast %sub3A : f32 to vector<1024x1xf32>
    %sub3A_45 = arith.subf %sub3A_44, %transpose3A : vector<1024x1xf32>
    %mul3A_46 = vector.broadcast %sub3A_45 : vector<1024x1xf32> to vector<1024x384xf32>
    %mul3A_47 = arith.mulf %mul3A_46, %concatenate3A_37 : vector<1024x384xf32>
    %add3A_48 = arith.addf %add3A, %mul3A_47 : vector<1024x384xf32>
    %get3A_49 = arith.constant 0 : index
    %get3A_50 = arith.constant 0 : index
    %get3A_51 = vector.load %arg5[%get3A_49, %get3A_50] : memref<1x384xf32, #tpu.memory_space<vmem>>, vector<1x384xf32>
    %add3A_52 = vector.broadcast %get3A_51 : vector<1x384xf32> to vector<1024x384xf32>
    %add3A_53 = arith.addf %add3A_48, %add3A_52 : vector<1024x384xf32>
    %gt3A = arith.constant 0.000000e+00 : f32
    %gt3A_54 = vector.broadcast %gt3A : f32 to vector<1024x384xf32>
    %gt3A_55 = arith.cmpf ogt, %add3A_53, %gt3A_54 : vector<1024x384xf32>
    %mul3A_56 = arith.constant 2.000000e-01 : f32
    %mul3A_57 = vector.broadcast %mul3A_56 : f32 to vector<1024x384xf32>
    %mul3A_58 = arith.mulf %mul3A_57, %add3A_53 : vector<1024x384xf32>
    %select_n3A = arith.select %gt3A_55, %add3A_53, %mul3A_58 : vector<1024x384xi1>, vector<1024x384xf32>
    %reshape3A = vector.shape_cast %select_n3A : vector<1024x384xf32> to vector<32x32x384xf32>
    %broadcast_in_dim3A = arith.constant 0.000000e+00 : f32
    %broadcast_in_dim3A_59 = vector.broadcast %broadcast_in_dim3A : f32 to vector<32x32x384xf32>
    %broadcast_in_dim3A_60 = arith.constant 0.000000e+00 : f32
    %broadcast_in_dim3A_61 = vector.broadcast %broadcast_in_dim3A_60 : f32 to vector<2x32x384xf32>
    %slice3A_62 = vector.extract_strided_slice %reshape3A {offsets = [0, 0, 0], sizes = [30, 32, 384], strides = [1, 1, 1]} : vector<32x32x384xf32> to vector<30x32x384xf32>
    %concatenate3A_63 = tpu.concatenate %broadcast_in_dim3A_61, %slice3A_62 in 0 : vector<2x32x384xf32>, vector<30x32x384xf32> -> vector<32x32x384xf32>
    %broadcast_in_dim3A_64 = arith.constant 0.000000e+00 : f32
    %broadcast_in_dim3A_65 = vector.broadcast %broadcast_in_dim3A_64 : f32 to vector<32x2x384xf32>
    %slice3A_66 = vector.extract_strided_slice %concatenate3A_63 {offsets = [0, 0, 0], sizes = [32, 30, 384], strides = [1, 1, 1]} : vector<32x32x384xf32> to vector<32x30x384xf32>
    %concatenate3A_67 = tpu.concatenate %broadcast_in_dim3A_65, %slice3A_66 in 1 : vector<32x2x384xf32>, vector<32x30x384xf32> -> vector<32x32x384xf32>
    %get3A_68 = arith.constant 0 : index
    %get3A_69 = arith.constant 0 : index
    %get3A_70 = vector.load %arg6[%get3A_68, %get3A_69] : memref<9x384xf32, #tpu.memory_space<vmem>>, vector<1x384xf32>
    %get3A_71 = vector.shape_cast %get3A_70 : vector<1x384xf32> to vector<384xf32>
    %broadcast_in_dim3A_72 = vector.shape_cast %get3A_71 : vector<384xf32> to vector<1x1x384xf32>
    %mul3A_73 = vector.broadcast %broadcast_in_dim3A_72 : vector<1x1x384xf32> to vector<32x32x384xf32>
    %mul3A_74 = arith.mulf %concatenate3A_67, %mul3A_73 : vector<32x32x384xf32>
    %add3A_75 = arith.addf %broadcast_in_dim3A_59, %mul3A_74 : vector<32x32x384xf32>
    %broadcast_in_dim3A_76 = arith.constant 0.000000e+00 : f32
    %broadcast_in_dim3A_77 = vector.broadcast %broadcast_in_dim3A_76 : f32 to vector<2x32x384xf32>
    %slice3A_78 = vector.extract_strided_slice %reshape3A {offsets = [0, 0, 0], sizes = [30, 32, 384], strides = [1, 1, 1]} : vector<32x32x384xf32> to vector<30x32x384xf32>
    %concatenate3A_79 = tpu.concatenate %broadcast_in_dim3A_77, %slice3A_78 in 0 : vector<2x32x384xf32>, vector<30x32x384xf32> -> vector<32x32x384xf32>
    %get3A_80 = arith.constant 1 : index
    %get3A_81 = arith.constant 0 : index
    %get3A_82 = vector.load %arg6[%get3A_80, %get3A_81] : memref<9x384xf32, #tpu.memory_space<vmem>>, vector<1x384xf32>
    %get3A_83 = vector.shape_cast %get3A_82 : vector<1x384xf32> to vector<384xf32>
    %broadcast_in_dim3A_84 = vector.shape_cast %get3A_83 : vector<384xf32> to vector<1x1x384xf32>
    %mul3A_85 = vector.broadcast %broadcast_in_dim3A_84 : vector<1x1x384xf32> to vector<32x32x384xf32>
    %mul3A_86 = arith.mulf %concatenate3A_79, %mul3A_85 : vector<32x32x384xf32>
    %add3A_87 = arith.addf %add3A_75, %mul3A_86 : vector<32x32x384xf32>
    %broadcast_in_dim3A_88 = arith.constant 0.000000e+00 : f32
    %broadcast_in_dim3A_89 = vector.broadcast %broadcast_in_dim3A_88 : f32 to vector<2x32x384xf32>
    %slice3A_90 = vector.extract_strided_slice %reshape3A {offsets = [0, 0, 0], sizes = [30, 32, 384], strides = [1, 1, 1]} : vector<32x32x384xf32> to vector<30x32x384xf32>
    %concatenate3A_91 = tpu.concatenate %broadcast_in_dim3A_89, %slice3A_90 in 0 : vector<2x32x384xf32>, vector<30x32x384xf32> -> vector<32x32x384xf32>
    %broadcast_in_dim3A_92 = arith.constant 0.000000e+00 : f32
    %broadcast_in_dim3A_93 = vector.broadcast %broadcast_in_dim3A_92 : f32 to vector<32x2x384xf32>
    %slice3A_94 = vector.extract_strided_slice %concatenate3A_91 {offsets = [0, 2, 0], sizes = [32, 30, 384], strides = [1, 1, 1]} : vector<32x32x384xf32> to vector<32x30x384xf32>
    %concatenate3A_95 = tpu.concatenate %slice3A_94, %broadcast_in_dim3A_93 in 1 : vector<32x30x384xf32>, vector<32x2x384xf32> -> vector<32x32x384xf32>
    %get3A_96 = arith.constant 2 : index
    %get3A_97 = arith.constant 0 : index
    %get3A_98 = vector.load %arg6[%get3A_96, %get3A_97] : memref<9x384xf32, #tpu.memory_space<vmem>>, vector<1x384xf32>
    %get3A_99 = vector.shape_cast %get3A_98 : vector<1x384xf32> to vector<384xf32>
    %broadcast_in_dim3A_100 = vector.shape_cast %get3A_99 : vector<384xf32> to vector<1x1x384xf32>
    %mul3A_101 = vector.broadcast %broadcast_in_dim3A_100 : vector<1x1x384xf32> to vector<32x32x384xf32>
    %mul3A_102 = arith.mulf %concatenate3A_95, %mul3A_101 : vector<32x32x384xf32>
    %add3A_103 = arith.addf %add3A_87, %mul3A_102 : vector<32x32x384xf32>
    %broadcast_in_dim3A_104 = arith.constant 0.000000e+00 : f32
    %broadcast_in_dim3A_105 = vector.broadcast %broadcast_in_dim3A_104 : f32 to vector<32x2x384xf32>
    %slice3A_106 = vector.extract_strided_slice %reshape3A {offsets = [0, 0, 0], sizes = [32, 30, 384], strides = [1, 1, 1]} : vector<32x32x384xf32> to vector<32x30x384xf32>
    %concatenate3A_107 = tpu.concatenate %broadcast_in_dim3A_105, %slice3A_106 in 1 : vector<32x2x384xf32>, vector<32x30x384xf32> -> vector<32x32x384xf32>
    %get3A_108 = arith.constant 3 : index
    %get3A_109 = arith.constant 0 : index
    %get3A_110 = vector.load %arg6[%get3A_108, %get3A_109] : memref<9x384xf32, #tpu.memory_space<vmem>>, vector<1x384xf32>
    %get3A_111 = vector.shape_cast %get3A_110 : vector<1x384xf32> to vector<384xf32>
    %broadcast_in_dim3A_112 = vector.shape_cast %get3A_111 : vector<384xf32> to vector<1x1x384xf32>
    %mul3A_113 = vector.broadcast %broadcast_in_dim3A_112 : vector<1x1x384xf32> to vector<32x32x384xf32>
    %mul3A_114 = arith.mulf %concatenate3A_107, %mul3A_113 : vector<32x32x384xf32>
    %add3A_115 = arith.addf %add3A_103, %mul3A_114 : vector<32x32x384xf32>
    %get3A_116 = arith.constant 4 : index
    %get3A_117 = arith.constant 0 : index
    %get3A_118 = vector.load %arg6[%get3A_116, %get3A_117] : memref<9x384xf32, #tpu.memory_space<vmem>>, vector<1x384xf32>
    %get3A_119 = vector.shape_cast %get3A_118 : vector<1x384xf32> to vector<384xf32>
    %broadcast_in_dim3A_120 = vector.shape_cast %get3A_119 : vector<384xf32> to vector<1x1x384xf32>
    %mul3A_121 = vector.broadcast %broadcast_in_dim3A_120 : vector<1x1x384xf32> to vector<32x32x384xf32>
    %mul3A_122 = arith.mulf %reshape3A, %mul3A_121 : vector<32x32x384xf32>
    %add3A_123 = arith.addf %add3A_115, %mul3A_122 : vector<32x32x384xf32>
    %broadcast_in_dim3A_124 = arith.constant 0.000000e+00 : f32
    %broadcast_in_dim3A_125 = vector.broadcast %broadcast_in_dim3A_124 : f32 to vector<32x2x384xf32>
    %slice3A_126 = vector.extract_strided_slice %reshape3A {offsets = [0, 2, 0], sizes = [32, 30, 384], strides = [1, 1, 1]} : vector<32x32x384xf32> to vector<32x30x384xf32>
    %concatenate3A_127 = tpu.concatenate %slice3A_126, %broadcast_in_dim3A_125 in 1 : vector<32x30x384xf32>, vector<32x2x384xf32> -> vector<32x32x384xf32>
    %get3A_128 = arith.constant 5 : index
    %get3A_129 = arith.constant 0 : index
    %get3A_130 = vector.load %arg6[%get3A_128, %get3A_129] : memref<9x384xf32, #tpu.memory_space<vmem>>, vector<1x384xf32>
    %get3A_131 = vector.shape_cast %get3A_130 : vector<1x384xf32> to vector<384xf32>
    %broadcast_in_dim3A_132 = vector.shape_cast %get3A_131 : vector<384xf32> to vector<1x1x384xf32>
    %mul3A_133 = vector.broadcast %broadcast_in_dim3A_132 : vector<1x1x384xf32> to vector<32x32x384xf32>
    %mul3A_134 = arith.mulf %concatenate3A_127, %mul3A_133 : vector<32x32x384xf32>
    %add3A_135 = arith.addf %add3A_123, %mul3A_134 : vector<32x32x384xf32>
    %broadcast_in_dim3A_136 = arith.constant 0.000000e+00 : f32
    %broadcast_in_dim3A_137 = vector.broadcast %broadcast_in_dim3A_136 : f32 to vector<2x32x384xf32>
    %slice3A_138 = vector.extract_strided_slice %reshape3A {offsets = [2, 0, 0], sizes = [30, 32, 384], strides = [1, 1, 1]} : vector<32x32x384xf32> to vector<30x32x384xf32>
    %concatenate3A_139 = tpu.concatenate %slice3A_138, %broadcast_in_dim3A_137 in 0 : vector<30x32x384xf32>, vector<2x32x384xf32> -> vector<32x32x384xf32>
    %broadcast_in_dim3A_140 = arith.constant 0.000000e+00 : f32
    %broadcast_in_dim3A_141 = vector.broadcast %broadcast_in_dim3A_140 : f32 to vector<32x2x384xf32>
    %slice3A_142 = vector.extract_strided_slice %concatenate3A_139 {offsets = [0, 0, 0], sizes = [32, 30, 384], strides = [1, 1, 1]} : vector<32x32x384xf32> to vector<32x30x384xf32>
    %concatenate3A_143 = tpu.concatenate %broadcast_in_dim3A_141, %slice3A_142 in 1 : vector<32x2x384xf32>, vector<32x30x384xf32> -> vector<32x32x384xf32>
    %get3A_144 = arith.constant 6 : index
    %get3A_145 = arith.constant 0 : index
    %get3A_146 = vector.load %arg6[%get3A_144, %get3A_145] : memref<9x384xf32, #tpu.memory_space<vmem>>, vector<1x384xf32>
    %get3A_147 = vector.shape_cast %get3A_146 : vector<1x384xf32> to vector<384xf32>
    %broadcast_in_dim3A_148 = vector.shape_cast %get3A_147 : vector<384xf32> to vector<1x1x384xf32>
    %mul3A_149 = vector.broadcast %broadcast_in_dim3A_148 : vector<1x1x384xf32> to vector<32x32x384xf32>
    %mul3A_150 = arith.mulf %concatenate3A_143, %mul3A_149 : vector<32x32x384xf32>
    %add3A_151 = arith.addf %add3A_135, %mul3A_150 : vector<32x32x384xf32>
    %broadcast_in_dim3A_152 = arith.constant 0.000000e+00 : f32
    %broadcast_in_dim3A_153 = vector.broadcast %broadcast_in_dim3A_152 : f32 to vector<2x32x384xf32>
    %slice3A_154 = vector.extract_strided_slice %reshape3A {offsets = [2, 0, 0], sizes = [30, 32, 384], strides = [1, 1, 1]} : vector<32x32x384xf32> to vector<30x32x384xf32>
    %concatenate3A_155 = tpu.concatenate %slice3A_154, %broadcast_in_dim3A_153 in 0 : vector<30x32x384xf32>, vector<2x32x384xf32> -> vector<32x32x384xf32>
    %get3A_156 = arith.constant 7 : index
    %get3A_157 = arith.constant 0 : index
    %get3A_158 = vector.load %arg6[%get3A_156, %get3A_157] : memref<9x384xf32, #tpu.memory_space<vmem>>, vector<1x384xf32>
    %get3A_159 = vector.shape_cast %get3A_158 : vector<1x384xf32> to vector<384xf32>
    %broadcast_in_dim3A_160 = vector.shape_cast %get3A_159 : vector<384xf32> to vector<1x1x384xf32>
    %mul3A_161 = vector.broadcast %broadcast_in_dim3A_160 : vector<1x1x384xf32> to vector<32x32x384xf32>
    %mul3A_162 = arith.mulf %concatenate3A_155, %mul3A_161 : vector<32x32x384xf32>
    %add3A_163 = arith.addf %add3A_151, %mul3A_162 : vector<32x32x384xf32>
    %broadcast_in_dim3A_164 = arith.constant 0.000000e+00 : f32
    %broadcast_in_dim3A_165 = vector.broadcast %broadcast_in_dim3A_164 : f32 to vector<2x32x384xf32>
    %slice3A_166 = vector.extract_strided_slice %reshape3A {offsets = [2, 0, 0], sizes = [30, 32, 384], strides = [1, 1, 1]} : vector<32x32x384xf32> to vector<30x32x384xf32>
    %concatenate3A_167 = tpu.concatenate %slice3A_166, %broadcast_in_dim3A_165 in 0 : vector<30x32x384xf32>, vector<2x32x384xf32> -> vector<32x32x384xf32>
    %broadcast_in_dim3A_168 = arith.constant 0.000000e+00 : f32
    %broadcast_in_dim3A_169 = vector.broadcast %broadcast_in_dim3A_168 : f32 to vector<32x2x384xf32>
    %slice3A_170 = vector.extract_strided_slice %concatenate3A_167 {offsets = [0, 2, 0], sizes = [32, 30, 384], strides = [1, 1, 1]} : vector<32x32x384xf32> to vector<32x30x384xf32>
    %concatenate3A_171 = tpu.concatenate %slice3A_170, %broadcast_in_dim3A_169 in 1 : vector<32x30x384xf32>, vector<32x2x384xf32> -> vector<32x32x384xf32>
    %get3A_172 = arith.constant 8 : index
    %get3A_173 = arith.constant 0 : index
    %get3A_174 = vector.load %arg6[%get3A_172, %get3A_173] : memref<9x384xf32, #tpu.memory_space<vmem>>, vector<1x384xf32>
    %get3A_175 = vector.shape_cast %get3A_174 : vector<1x384xf32> to vector<384xf32>
    %broadcast_in_dim3A_176 = vector.shape_cast %get3A_175 : vector<384xf32> to vector<1x1x384xf32>
    %mul3A_177 = vector.broadcast %broadcast_in_dim3A_176 : vector<1x1x384xf32> to vector<32x32x384xf32>
    %mul3A_178 = arith.mulf %concatenate3A_171, %mul3A_177 : vector<32x32x384xf32>
    %add3A_179 = arith.addf %add3A_163, %mul3A_178 : vector<32x32x384xf32>
    %get3A_180 = arith.constant 0 : index
    %get3A_181 = arith.constant 0 : index
    %get3A_182 = vector.load %arg7[%get3A_180, %get3A_181] : memref<1x384xf32, #tpu.memory_space<vmem>>, vector<1x384xf32>
    %get3A_183 = vector.shape_cast %get3A_182 : vector<1x384xf32> to vector<384xf32>
    %broadcast_in_dim3A_184 = vector.shape_cast %get3A_183 : vector<384xf32> to vector<1x1x384xf32>
    %add3A_185 = vector.broadcast %broadcast_in_dim3A_184 : vector<1x1x384xf32> to vector<32x32x384xf32>
    %add3A_186 = arith.addf %add3A_179, %add3A_185 : vector<32x32x384xf32>
    %gt3A_187 = arith.constant 0.000000e+00 : f32
    %gt3A_188 = vector.broadcast %gt3A_187 : f32 to vector<32x32x384xf32>
    %gt3A_189 = arith.cmpf ogt, %add3A_186, %gt3A_188 : vector<32x32x384xf32>
    %mul3A_190 = arith.constant 2.000000e-01 : f32
    %mul3A_191 = vector.broadcast %mul3A_190 : f32 to vector<32x32x384xf32>
    %mul3A_192 = arith.mulf %mul3A_191, %add3A_186 : vector<32x32x384xf32>
    %select_n3A_193 = arith.select %gt3A_189, %add3A_186, %mul3A_192 : vector<32x32x384xi1>, vector<32x32x384xf32>
    %swap3A = arith.constant 0 : index
    %swap3A_194 = arith.constant 0 : index
    %swap3A_195 = arith.constant 0 : index
    %swap3A_196 = arith.constant 0 : index
    %swap3A_197 = vector.load %arg8[%swap3A, %swap3A_194, %swap3A_195, %swap3A_196] : memref<1x32x32x384xf32, #tpu.memory_space<vmem>>, vector<1x32x32x384xf32>
    %swap3A_198 = vector.shape_cast %swap3A_197 : vector<1x32x32x384xf32> to vector<32x32x384xf32>
    %swap3A_199 = vector.shape_cast %select_n3A_193 : vector<32x32x384xf32> to vector<1x32x32x384xf32>
    tpu.vector_store %arg8[%swap3A, %swap3A_194, %swap3A_195, %swap3A_196], %swap3A_199 {strides = array<i32>} : memref<1x32x32x384xf32, #tpu.memory_space<vmem>>, vector<1x32x32x384xf32>,
    return
  }
  func.func @transform_0(%arg0: i32) -> (i32, i32, i32) {
    %c0_i32 = arith.constant 0 : i32
    %c0_i32_0 = arith.constant 0 : i32
    %c0_i32_1 = arith.constant 0 : i32
    return %arg0, %c0_i32, %c0_i32_0 : i32, i32, i32
  }
  func.func @transform_1(%arg0: i32) -> (i32, i32, i32, i32) {
    %c0_i32 = arith.constant 0 : i32
    %c0_i32_0 = arith.constant 0 : i32
    %c0_i32_1 = arith.constant 0 : i32
    %c0_i32_2 = arith.constant 0 : i32
    return %c0_i32, %arg0, %c0_i32_0, %c0_i32_1 : i32, i32, i32, i32
  }
  func.func @transform_2(%arg0: i32) -> (i32, i32, i32, i32) {
    %c1_i32 = arith.constant 1 : i32
    %c0_i32 = arith.constant 0 : i32
    %c0_i32_0 = arith.constant 0 : i32
    %c0_i32_1 = arith.constant 0 : i32
    return %c1_i32, %arg0, %c0_i32, %c0_i32_0 : i32, i32, i32, i32
  }
  func.func @transform_3(%arg0: i32) -> (i32, i32, i32) {
    %c0_i32 = arith.constant 0 : i32
    %c0_i32_0 = arith.constant 0 : i32
    %c0_i32_1 = arith.constant 0 : i32
    return %arg0, %c0_i32, %c0_i32_0 : i32, i32, i32
  }
  func.func @transform_4(%arg0: i32) -> (i32, i32) {
    %c0_i32 = arith.constant 0 : i32
    %c0_i32_0 = arith.constant 0 : i32
    %c0_i32_1 = arith.constant 0 : i32
    return %c0_i32, %c0_i32_0 : i32, i32
  }
  func.func @transform_5(%arg0: i32) -> (i32, i32) {
    %c0_i32 = arith.constant 0 : i32
    %c0_i32_0 = arith.constant 0 : i32
    %c0_i32_1 = arith.constant 0 : i32
    return %c0_i32, %c0_i32_0 : i32, i32
  }
  func.func @transform_6(%arg0: i32) -> (i32, i32) {
    %c0_i32 = arith.constant 0 : i32
    %c0_i32_0 = arith.constant 0 : i32
    %c0_i32_1 = arith.constant 0 : i32
    return %c0_i32, %c0_i32_0 : i32, i32
  }
  func.func @transform_7(%arg0: i32) -> (i32, i32, i32, i32) {
    %c0_i32 = arith.constant 0 : i32
    %c0_i32_0 = arith.constant 0 : i32
    %c0_i32_1 = arith.constant 0 : i32
    %c0_i32_2 = arith.constant 0 : i32
    return %arg0, %c0_i32, %c0_i32_0, %c0_i32_1 : i32, i32, i32, i32
  }
}

</mosaic_0001>

<sc_bundles>
// kernel: kernel.5.cloned.1.call-start
scs
__scs_entry_jumppad:
0x0: {  	(pc) =	sbr.rel $0x88, $3  }
0x1: {  	(tag) =	ssettag $0x0;
	lr =	simm.s32 $0x1  }
0x2: {  	[smem:$0x3F9B] =	sst lr;
	_ =	strace $0xD0000000  }
0x3: {  	_ = 	snop  }
0x4: {  	_ = 	snop  }
0x5: {  	_ = 	snop  }
0x6: {  	_ = 	snop  }
0x7: {  	_ = 	snop  }
__scs_overlays_trampoline_lowered:
0x8: {  	[smem:$0x3FAA] =	sst s0  }
0x9: {  	[smem:$0x3FAB] =	sst s1  }
0xa: {  	[smem:$0x3FAC] =	sst s2  }
0xb: {  	[smem:$0x3FAD] =	sst s3  }
0xc: {  	[smem:$0x3FAE] =	sst s4  }
0xd: {  	[smem:$0x3FAF] =	sst s5  }
0xe: {  	[smem:$0x3FB0] =	sst s6  }
0xf: {  	[smem:$0x3FB1] =	sst s7  }
0x10: {  	[smem:$0x3FB2] =	sst s8  }
0x11: {  	[smem:$0x3FB3] =	sst s9;
	s0 =	simm.s32 @!p0 $0x0  }
0x12: {  	s1 =	sld [smem:$0x3F99];
	s0 =	simm.s32 @p0 $0x1  }
0x13: {  	[smem:$0x3FB4] =	sst s0;
	s0 =	simm.s32 @!p1 $0x0  }
0x14: {  	s2 =	sld [smem:$0x3F98];
	s0 =	simm.s32 @p1 $0x1  }
0x15: {  	[smem:$0x3FB5] =	sst s0;
	s0 =	simm.s32 @!p2 $0x0  }
0x16: {  	s3 =	sld [smem:$0x3FDB];
	s0 =	simm.s32 @p2 $0x1  }
0x17: {  	s4 =	simm.s32 $0x1BF5;
	[smem:$0x3FB7] =	sst s0  }
0x18: {  	s0 =	sld [smem:$0x3F9A];
	_ =	swait.ge [sflag:s4], $0x0  }
0x19: {  	s7 =	sld [smem:$0x3F9B]  }
0x1a: {  	s8 =	sadd.s32 $0xFFFFE003, lr  }
0x1b: {  	s9 =	sadd.s32 $0xFFFFFEF7, lr;
	s5 =	simm.s32 $0xFFFFFFFF;
	p2 =	slt.u32 s8, $0xFFFFF086  }
0x1c: {  	p1 =	slt.u32 s9, $0xF7A;
	s5 =	simm.s32 @!p2 $0x0  }
0x1d: {  	s5 =	simm.s32 @p1 $0x1;
	p0 =	seq.s32 s7, s2  }
0x1e: {  	s7 =	smul.u32 @!p0 $0xF7A, s2;
	p2 =	seq.s32 @!p0 s5, $0x0  }
0x1f: {  	s9 =	smul.u32 $0xF7A, s1;
	s8 =	simm.s32 @!p0 $0x1BF5;
	p2 =	por !p2, p0  }
0x20: {  	[sflag:s8] =	ssyncset.s32 @!p0 $0xFFFFF086;
	s6 =	sadd.s32 @!p0 s3, s7;
	s7 =	simm.s32 @!p0 $0x108  }
0x21: {  	s3 =	sadd.s32 s3, s9;
	s6 =	sadd.s32 @!p0 $0x88, s6;
	s7 =	simm.s32 @p2 $0x1082  }
0x22: {  	[simem:s7], [sflag:s8] =	dma.local @!p0 [hbm:s6], $0xF7A  }
0x23: {  	s9 =	sor.u32 $0xD0000000, s2;
	s6 =	simm.s32 $0x108;
	_ =	swait.ge @!p0 [sflag:s8], $0x0  }
0x24: {  	s3 =	sadd.s32 $0x88, s3;
	s6 =	simm.s32 @!p1 $0x1082;
	[sflag:s4] =	ssyncset.s32 $0xFFFFF086  }
0x25: {  	[simem:s6], [sflag:s4] =	dma.local [hbm:s3], $0xF7A  }
0x26: {  	[smem:$0x3F9B] =	sst s1;
	(tag) =	ssettag s2;
	_ =	strace s9  }
0x27: {  	s1 =	sld [smem:$0x3FAB]  }
0x28: {  	s2 =	sld [smem:$0x3FAC]  }
0x29: {  	s4 =	sld [smem:$0x3FAE]  }
0x2a: {  	p0 =	seq.s32 s5, $0x0;
	s5 =	sld [smem:$0x3FAF]  }
0x2b: {  	s6 =	sld [smem:$0x3FB0]  }
0x2c: {  	s7 =	sld [smem:$0x3FB1]  }
0x2d: {  	s3 =	simm.s32 $0x108;
	s8 =	sld [smem:$0x3FB2]  }
0x2e: {  	s3 =	simm.s32 @!p0 $0x1082;
	s9 =	sld [smem:$0x3FB3]  }
0x2f: {  	lr =	sadd.s32 s0, s3;
	s0 =	sld [smem:$0x3FAA]  }
0x30: {  	s3 =	sld [smem:$0x3FAD]  }
0x31: {  	[smem:$0x3FB6] =	sst s10  }
0x32: {  	s10 =	sld [smem:$0x3FB4];
	_ =	sdelay $0x3  }
0x33: {  	p0 =	seq.s32 s10, $0x1;
	s10 =	sld [smem:$0x3FB6];
	_ =	sdelay $0x3  }
0x34: {  	[smem:$0x3FB6] =	sst s10  }
0x35: {  	s10 =	sld [smem:$0x3FB5];
	_ =	sdelay $0x3  }
0x36: {  	p1 =	seq.s32 s10, $0x1;
	s10 =	sld [smem:$0x3FB6];
	_ =	sdelay $0x3  }
0x37: {  	[smem:$0x3FB6] =	sst s10  }
0x38: {  	s10 =	sld [smem:$0x3FB7]  }
0x39: {  	_ = 	snop;
	(pc) =	sbr.ind lr, $3  }
0x3a: {  	_ = 	snop  }
0x3b: {  	_ = 	snop  }
0x3c: {  	p2 =	seq.s32 s10, $0x1;
	s10 =	sld [smem:$0x3FB6]  }
0x3d: {  	_ =	shalt  }
0x3e: {  	_ =	shalt  }
0x3f: {  	_ =	shalt  }
0x40: {  	_ =	shalt  }
0x41: {  	_ =	shalt  }
0x42: {  	_ =	shalt  }
0x43: {  	_ =	shalt  }
0x44: {  	_ =	shalt  }
0x45: {  	_ =	shalt  }
0x46: {  	_ =	shalt  }
0x47: {  	_ =	shalt  }
0x48: {  	_ =	shalt  }
0x49: {  	_ =	shalt  }
0x4a: {  	_ =	shalt  }
0x4b: {  	_ =	shalt  }
0x4c: {  	_ =	shalt  }
0x4d: {  	_ =	shalt  }
0x4e: {  	_ =	shalt  }
0x4f: {  	_ =	shalt  }
0x50: {  	_ =	shalt  }
0x51: {  	_ =	shalt  }
0x52: {  	_ =	shalt  }
0x53: {  	_ =	shalt  }
0x54: {  	_ =	shalt  }
0x55: {  	_ =	shalt  }
0x56: {  	_ =	shalt  }
0x57: {  	_ =	shalt  }
0x58: {  	_ =	shalt  }
0x59: {  	_ =	shalt  }
0x5a: {  	_ =	shalt  }
0x5b: {  	_ =	shalt  }
0x5c: {  	_ =	shalt  }
0x5d: {  	_ =	shalt  }
0x5e: {  	_ =	shalt  }
0x5f: {  	_ =	shalt  }
0x60: {  	_ =	shalt  }
0x61: {  	_ =	shalt  }
0x62: {  	_ =	shalt  }
0x63: {  	_ =	shalt  }
0x64: {  	_ =	shalt  }
0x65: {  	_ =	shalt  }
0x66: {  	_ =	shalt  }
0x67: {  	_ =	shalt  }
0x68: {  	_ =	shalt  }
0x69: {  	_ =	shalt  }
0x6a: {  	_ =	shalt  }
0x6b: {  	_ =	shalt  }
0x6c: {  	_ =	shalt  }
0x6d: {  	_ =	shalt  }
0x6e: {  	_ =	shalt  }
0x6f: {  	_ =	shalt  }
0x70: {  	_ =	shalt  }
0x71: {  	_ =	shalt  }
0x72: {  	_ =	shalt  }
0x73: {  	_ =	shalt  }
0x74: {  	_ =	shalt  }
0x75: {  	_ =	shalt  }
0x76: {  	_ =	shalt  }
0x77: {  	_ =	shalt  }
0x78: {  	_ =	shalt  }
0x79: {  	_ =	shalt  }
0x7a: {  	_ =	shalt  }
0x7b: {  	_ =	shalt  }
0x7c: {  	_ =	shalt  }
0x7d: {  	_ =	shalt  }
0x7e: {  	_ =	shalt  }
0x7f: {  	_ =	shalt  }
0x80: {  	_ =	shalt  }
0x81: {  	_ =	shalt  }
0x82: {  	_ =	shalt  }
0x83: {  	_ =	shalt  }
0x84: {  	_ =	shalt  }
0x85: {  	_ =	shalt  }
0x86: {  	_ =	shalt  }
0x87: {  	_ =	shalt  }
.Lfunc_end0:
.L_simem_size_0:
called_computation_lowered:
.L_overlay_start_0:
0x88: {  	s2 =	sld [smem:$0x3FD9]  }
0x89: {  	s3 =	sld [smem:$0x3FFE];
	_ =	sdelay $0x1  }
0x8a: {  	s1 =	srdreg.scid  }
0x8b: {  	s0 =	sand.u32 $0x1, s1  }
0x8c: {  	s17 =	sshll.u32 s0, $0xA;
	s2 =	sadd.s32 s3, s2  }
0x8d: {  	s2 =	sadd.s32 s2, s17  }
0x8e: {  	[smem:$0x3FC2] =	sst s2  }
0x8f: {  	_ = 	snop  }
0x90: {  	s2 =	sld [smem:$0x3FD0];
	(tm) =	ssettm $0x1  }
0x91: {  	s18 =	sld [smem:$0x3FFB];
	_ =	sdelay $0x3  }
0x92: {  	_ =	strace s18  }
0x93: {  	s3 =	sld [smem:$0x3FFC];
	_ =	sdelay $0x3  }
0x94: {  	_ =	strace s3  }
0x95: {  	s3 =	sld [smem:$0x3FFD];
	_ =	sdelay $0x3  }
0x96: {  	_ =	strace s3  }
0x97: {  	_ =	strace $0x8FFFFFFF  }
0x98: {  	s19 =	sld [smem:$0x3FDB];
	_ =	sdelay $0x1  }
0x99: {  	s4 =	simm.s32 $_scs_section_size  }
0x9a: {  	s5 =	simm.s32 $_size__tile_overlayer_lowered;
	s6 =	simm.s32 $_tile_overlayer_lowered  }
0x9b: {  	s22 =	simm.s32 $0x1BFF;
	s21 =	sshll.u32 s6, $0x1;
	s3 =	sadd.s32 s4, s19  }
0x9c: {  	s7 =	simm.s32 $0x0;
	s20 =	sshll.u32 s5, $0x1;
	s5 =	sadd.s32 s21, s3  }
0x9d: {  	[timem:s7], [sflag:s22] =	dma.local [hbm:s5], s20  }
0x9e: {  	_ =	swait.ge [sflag:s22], s20  }
0x9f: {  	s4 =	ssub.s32 $0x0, s20;
	[sflag:s22] =	ssyncset.done $0x0  }
0xa0: {  	[sflag:s22] =	ssyncadd.s32 s4;
	_ =	sdelay $0x1  }
0xa1: {  	s23 =	simm.s32 $0x1B8B  }
0xa2: {  	_ =	swait.ge [sflag:s23], $0x1  }
0xa3: {  	[sflag:s23] =	ssyncset.done $0x0  }
0xa4: {  	s25 =	simm.s32 $0x1B8E;
	s24 =	sld [smem:$0x3FFE];
	[sflag:s23] =	ssyncadd.s32 $0xFFFFFFFF  }
0xa5: {  	s26 =	simm.s32 $execute0_lowered;
	[smem:$0x3FD2] =	sst s25  }
0xa6: {  	s5 =	sshll.u32 s26, $0x1;
	_ =	strace $0x80000046;
	[dreg:$0x1] =	wrdreg $0xFFFFFFFF  }
0xa7: {  	s28 =	simm.s32 $_size_execute0_lowered;
	s3 =	sadd.s32 s3, s5;
	[dreg:$0x0] =	wrdreg $0x0  }
0xa8: {  	s5 =	sshll.u32 s28, $0x1;
	[dreg:$0x2] =	wrdreg s3  }
0xa9: {  	[dreg:$0x3] =	wrdreg s5  }
0xaa: {  	[dreg:$0x4] =	wrdreg $0xC0  }
0xab: {  	_ =	task [dreg:s7], $0x5FFFF  }
0xac: {  	[dreg:$0x1] =	wrdreg $0xFFFFFFFF  }
0xad: {  	[dreg:$0x0] =	wrdreg $0x60  }
0xae: {  	[dreg:$0x2] =	wrdreg s2  }
0xaf: {  	[dreg:$0x3] =	wrdreg s24  }
0xb0: {  	[dreg:$0x4] =	wrdreg $0x9  }
0xb1: {  	_ =	task.clear_ibuf [dreg:s7], $0x5FFFF;
	_ =	strace $0x90000046  }
0xb2: {  	s29 =	simm.s32 $0x9;
	_ =	strace $0x80000048  }
0xb3: {  	_ =	swait.ge [sflag:s29], $0x1  }
0xb4: {  	[sflag:s29] =	ssyncadd.s32 $0xFFFFFFFF  }
0xb5: {  	_ =	strace $0x90000048  }
0xb6: {  	_ =	sfence  }
0xb7: {  	s30 =	sld [smem:$0x0];
	_ =	sdelay $0x2  }
0xb8: {  	s31 =	sshll.u32 s1, $0xD;
	s1 =	sshrl.u32 s1, $0x2  }
0xb9: {  	s3 =	sand.u32 $0x4000, s31;
	s1 =	sadd.s32 s1, s30  }
0xba: {  	s0 =	sor.u32 s3, s0;
	s1 =	sshll.u32 s1, $0x11  }
0xbb: {  	s0 =	sor.u32 s1, s0  }
0xbc: {  	s0 =	sadd.s32 $0x8F2B, s0  }
0xbd: {  	[sflag:s0] =	ssyncadd.remote.s32 $0x1  }
0xbe: {  	_ =	sfence.sel $0xFFFF  }
0xbf: {  	[dreg:$0x0] =	wrdreg $0xFFFFFFFF;
	(pc) =	sbr.abs _section_cstart, $3  }
0xc0: {  	[dreg:$0x1] =	wrdreg $0xFFFFFFFF  }
0xc1: {  	_ =	task.clear_ibuf [dreg:s7], $0x2FFFF;
	_ =	strace $0x9FFFFFFF  }
0xc2: {  	(tm) =	ssettm $0x7FFFFFFF  }
0xc3: {  	_ =	shalt  }
tec
execute0_lowered:
.L_overlay_start_1:
0x0: {  	(tag) =	ssettag $0x1  }
0x1: {  	s2 =	rddreg [dreg:$0x0]  }
0x2: {  	s4 =	rddreg [dreg:$0x1]  }
0x3: {  	s0 =	rddreg [dreg:$0x2];
	s5 =	srdreg.scid  }
0x4: {  	s1 =	stileid.u32;
	s3 =	simm.s32 $0x0;
	s9 =	simm.s32 $0x100  }
0x5: {  	s10 =	simm.s32 $0x900;
	s11 =	simm.s32 $0x1100;
	s12 =	simm.s32 $0x1900  }
0x6: {  	s13 =	simm.s32 $0x2100;
	s14 =	simm.s32 $0x2900;
	s15 =	simm.s32 $0x3100  }
0x7: {  	s16 =	simm.s32 $0x3900;
	s17 =	simm.s32 $0x4100;
	s18 =	simm.s32 $0x4900  }
0x8: {  	s19 =	simm.s32 $0x5100;
	s20 =	simm.s32 $0x5900;
	s21 =	simm.s32 $0x6100  }
0x9: {  	s22 =	simm.s32 $0x6900;
	s23 =	simm.s32 $0x7100;
	s24 =	simm.s32 $0x7900  }
0xa: {  	s5 =	sand.u32 $0x1, s5;
	s6 =	sshll.u32 s1, $0x1;
	[smem:$0x7FF] =	sst s3  }
0xb: {  	s25 =	simm.s32 $0x1;
	s6 =	sor.u32 s5, s6;
	_ =	strace $0x80000047  }
0xc: {  	s5 =	ssub.s32 $0x2, s5;
	s7 =	sshll.u32 s6, $0x5;
	s6 =	sshll.u32 s6, $0xD  }
0xd: {  	v2 =	vlaneseq.u32;
	s8 =	sshrl.u32 s5, $0x1;
	s7 =	sadd.s32 s7, s4;
	s6 =	sadd.s32 s6, s4  }
0xe: {  	vm0 =	vmmov $0xffff;
	v1 =	vshrl.u32 v2, $0x3;
	s8 =	ssub.s32 s5, s8;
	s4 =	sadd.s32 $0x1200, s7;
	s5 =	sadd.s32 $0x1600, s6  }
0xf: {  	v0 =	vand.u32 $0x7, v2;
	v2 =	vor.u32 $0x8, v2;
	v1 =	vmul.u32 $0x8, v1;
	s6 =	sadd.s32 $0x2600, s6;
	s7 =	smax.u32 s8, $0x1;
	s8 =	simm.s32 $0x2  }
.LBB2_1:
0x10: {  	[tilespmem:s3], [sflag:$0x2] =	stream.linear.gather [hbm4b:s4+s3], $0x100, $0x38;
	[tilespmem:$0x8100] =	vst v63  }
0x11: {  	_ =	swait.ge [sflag:s8], $0x100  }
0x12: {  	[sflag:s8] =	ssyncset.done $0x0  }
0x13: {  	[sflag:s8] =	ssyncadd.s32 $0xFFFFFF00  }
0x14: {  	v3 =	vld [tilespmem:$0x0];
	_ =	sdelay $0x4  }
0x15: {  	v4 =	vshll.u32 v3, $0x1  }
0x16: {  	v3 =	vand.u32 $0x7, v3;
	v4 =	vand.u32 $0xFFFFFFF0, v4  }
0x17: {  	v3 =	vor.u32 v3, v4  }
0x18: {  	v4 =	vperm.xlane v3, v0;
	_ =	sdelay $0x1  }
0x19: {  	v3 =	vperm.xlane v3, v2;
	v4 =	vadd.s32 v1, v4;
	_ =	sdelay $0x1  }
0x1a: {  	v3 =	vadd.s32 v1, v3;
	_ =	sdelay $0x2  }
0x1b: {  	[tilespmem:s9], [sflag:$0x1] =	stream.indirect_vreg.gather [hbm4b:s2+s3], $0x80, v4, vm0, $0xb8;
	[tilespmem:$0x8100] =	vst v63  }
0x1c: {  	_ = 	snop  }
0x1d: {  	[tilespmem:s10], [sflag:$0x1] =	stream.indirect_vreg.gather [hbm4b:s2+s3], $0x80, v3, vm0, $0xb8;
	[tilespmem:$0x8100] =	vst v63  }
0x1e: {  	v3 =	vld [tilespmem:$0x10];
	_ =	sdelay $0x4  }
0x1f: {  	v49 =	vshll.u32 v3, $0x1  }
0x20: {  	v3 =	vand.u32 $0x7, v3;
	v4 =	vand.u32 $0xFFFFFFF0, v49  }
0x21: {  	v3 =	vor.u32 v3, v4  }
0x22: {  	v4 =	vperm.xlane v3, v0;
	_ =	sdelay $0x1  }
0x23: {  	v3 =	vperm.xlane v3, v2;
	v4 =	vadd.s32 v1, v4;
	_ =	sdelay $0x1  }
0x24: {  	v3 =	vadd.s32 v1, v3;
	_ =	sdelay $0x2  }
0x25: {  	[tilespmem:s11], [sflag:$0x1] =	stream.indirect_vreg.gather [hbm4b:s2+s3], $0x80, v4, vm0, $0xb8;
	[tilespmem:$0x8100] =	vst v63  }
0x26: {  	_ = 	snop  }
0x27: {  	[tilespmem:s12], [sflag:$0x1] =	stream.indirect_vreg.gather [hbm4b:s2+s3], $0x80, v3, vm0, $0xb8;
	[tilespmem:$0x8100] =	vst v63  }
0x28: {  	v3 =	vld [tilespmem:$0x20];
	_ =	sdelay $0x4  }
0x29: {  	v50 =	vshll.u32 v3, $0x1  }
0x2a: {  	v3 =	vand.u32 $0x7, v3;
	v4 =	vand.u32 $0xFFFFFFF0, v50  }
0x2b: {  	v3 =	vor.u32 v3, v4  }
0x2c: {  	v4 =	vperm.xlane v3, v0;
	_ =	sdelay $0x1  }
0x2d: {  	v3 =	vperm.xlane v3, v2;
	v4 =	vadd.s32 v1, v4;
	_ =	sdelay $0x1  }
0x2e: {  	v3 =	vadd.s32 v1, v3;
	_ =	sdelay $0x2  }
0x2f: {  	[tilespmem:s13], [sflag:$0x1] =	stream.indirect_vreg.gather [hbm4b:s2+s3], $0x80, v4, vm0, $0xb8;
	[tilespmem:$0x8100] =	vst v63  }
0x30: {  	_ = 	snop  }
0x31: {  	[tilespmem:s14], [sflag:$0x1] =	stream.indirect_vreg.gather [hbm4b:s2+s3], $0x80, v3, vm0, $0xb8;
	[tilespmem:$0x8100] =	vst v63  }
0x32: {  	v3 =	vld [tilespmem:$0x30];
	_ =	sdelay $0x4  }
0x33: {  	v51 =	vshll.u32 v3, $0x1  }
0x34: {  	v3 =	vand.u32 $0x7, v3;
	v4 =	vand.u32 $0xFFFFFFF0, v51  }
0x35: {  	v3 =	vor.u32 v3, v4  }
0x36: {  	v4 =	vperm.xlane v3, v0;
	_ =	sdelay $0x1  }
0x37: {  	v3 =	vperm.xlane v3, v2;
	v4 =	vadd.s32 v1, v4;
	_ =	sdelay $0x1  }
0x38: {  	v3 =	vadd.s32 v1, v3;
	_ =	sdelay $0x2  }
0x39: {  	[tilespmem:s15], [sflag:$0x1] =	stream.indirect_vreg.gather [hbm4b:s2+s3], $0x80, v4, vm0, $0xb8;
	[tilespmem:$0x8100] =	vst v63  }
0x3a: {  	_ = 	snop  }
0x3b: {  	[tilespmem:s16], [sflag:$0x1] =	stream.indirect_vreg.gather [hbm4b:s2+s3], $0x80, v3, vm0, $0xb8;
	[tilespmem:$0x8100] =	vst v63  }
0x3c: {  	v3 =	vld [tilespmem:$0x40];
	_ =	sdelay $0x4  }
0x3d: {  	v52 =	vshll.u32 v3, $0x1  }
0x3e: {  	v3 =	vand.u32 $0x7, v3;
	v4 =	vand.u32 $0xFFFFFFF0, v52  }
0x3f: {  	v3 =	vor.u32 v3, v4  }
0x40: {  	v4 =	vperm.xlane v3, v0;
	_ =	sdelay $0x1  }
0x41: {  	v3 =	vperm.xlane v3, v2;
	v4 =	vadd.s32 v1, v4;
	_ =	sdelay $0x1  }
0x42: {  	v3 =	vadd.s32 v1, v3;
	_ =	sdelay $0x2  }
0x43: {  	[tilespmem:s17], [sflag:$0x1] =	stream.indirect_vreg.gather [hbm4b:s2+s3], $0x80, v4, vm0, $0xb8;
	[tilespmem:$0x8100] =	vst v63  }
0x44: {  	_ = 	snop  }
0x45: {  	[tilespmem:s18], [sflag:$0x1] =	stream.indirect_vreg.gather [hbm4b:s2+s3], $0x80, v3, vm0, $0xb8;
	[tilespmem:$0x8100] =	vst v63  }
0x46: {  	v3 =	vld [tilespmem:$0x50];
	_ =	sdelay $0x4  }
0x47: {  	v53 =	vshll.u32 v3, $0x1  }
0x48: {  	v3 =	vand.u32 $0x7, v3;
	v4 =	vand.u32 $0xFFFFFFF0, v53  }
0x49: {  	v3 =	vor.u32 v3, v4  }
0x4a: {  	v4 =	vperm.xlane v3, v0;
	_ =	sdelay $0x1  }
0x4b: {  	v3 =	vperm.xlane v3, v2;
	v4 =	vadd.s32 v1, v4;
	_ =	sdelay $0x1  }
0x4c: {  	v3 =	vadd.s32 v1, v3;
	_ =	sdelay $0x2  }
0x4d: {  	[tilespmem:s19], [sflag:$0x1] =	stream.indirect_vreg.gather [hbm4b:s2+s3], $0x80, v4, vm0, $0xb8;
	[tilespmem:$0x8100] =	vst v63  }
0x4e: {  	_ = 	snop  }
0x4f: {  	[tilespmem:s20], [sflag:$0x1] =	stream.indirect_vreg.gather [hbm4b:s2+s3], $0x80, v3, vm0, $0xb8;
	[tilespmem:$0x8100] =	vst v63  }
0x50: {  	v3 =	vld [tilespmem:$0x60];
	_ =	sdelay $0x4  }
0x51: {  	v54 =	vshll.u32 v3, $0x1  }
0x52: {  	v3 =	vand.u32 $0x7, v3;
	v4 =	vand.u32 $0xFFFFFFF0, v54  }
0x53: {  	v3 =	vor.u32 v3, v4  }
0x54: {  	v4 =	vperm.xlane v3, v0;
	_ =	sdelay $0x1  }
0x55: {  	v3 =	vperm.xlane v3, v2;
	v4 =	vadd.s32 v1, v4;
	_ =	sdelay $0x1  }
0x56: {  	v3 =	vadd.s32 v1, v3;
	_ =	sdelay $0x2  }
0x57: {  	[tilespmem:s21], [sflag:$0x1] =	stream.indirect_vreg.gather [hbm4b:s2+s3], $0x80, v4, vm0, $0xb8;
	[tilespmem:$0x8100] =	vst v63  }
0x58: {  	_ = 	snop  }
0x59: {  	[tilespmem:s22], [sflag:$0x1] =	stream.indirect_vreg.gather [hbm4b:s2+s3], $0x80, v3, vm0, $0xb8;
	[tilespmem:$0x8100] =	vst v63  }
0x5a: {  	v3 =	vld [tilespmem:$0x70];
	_ =	sdelay $0x4  }
0x5b: {  	v55 =	vshll.u32 v3, $0x1  }
0x5c: {  	v3 =	vand.u32 $0x7, v3;
	v4 =	vand.u32 $0xFFFFFFF0, v55  }
0x5d: {  	v3 =	vor.u32 v3, v4  }
0x5e: {  	v4 =	vperm.xlane v3, v0;
	_ =	sdelay $0x1  }
0x5f: {  	v3 =	vperm.xlane v3, v2;
	v4 =	vadd.s32 v1, v4;
	_ =	sdelay $0x1  }
0x60: {  	v3 =	vadd.s32 v1, v3;
	_ =	sdelay $0x2  }
0x61: {  	[tilespmem:s23], [sflag:$0x1] =	stream.indirect_vreg.gather [hbm4b:s2+s3], $0x80, v4, vm0, $0xb8;
	[tilespmem:$0x8100] =	vst v63  }
0x62: {  	_ = 	snop  }
0x63: {  	[tilespmem:s24], [sflag:$0x1] =	stream.indirect_vreg.gather [hbm4b:s2+s3], $0x80, v3, vm0, $0xb8;
	[tilespmem:$0x8100] =	vst v63  }
0x64: {  	_ =	swait.ge [sflag:s25], $0x8000  }
0x65: {  	[sflag:s25] =	ssyncset.done $0x0  }
0x66: {  	[sflag:s25] =	ssyncadd.s32 $0xFFFF8000  }
0x67: {  	[hbm4b:s5+s3] =	stream.linear.scatter [tilespmem:s9], [sflag:$0x2], $0x8000, $0x38;
	[tilespmem:$0x8100] =	vst v63  }
0x68: {  	_ =	swait.ge [sflag:s8], $0x8000  }
0x69: {  	[sflag:s8] =	ssyncset.done $0x0  }
0x6a: {  	[sflag:s8] =	ssyncadd.s32 $0xFFFF8000  }
0x6b: {  	v3 =	vld [tilespmem:$0x80];
	_ =	sdelay $0x4  }
0x6c: {  	v56 =	vshll.u32 v3, $0x1  }
0x6d: {  	v3 =	vand.u32 $0x7, v3;
	v4 =	vand.u32 $0xFFFFFFF0, v56  }
0x6e: {  	v3 =	vor.u32 v3, v4  }
0x6f: {  	v4 =	vperm.xlane v3, v0;
	_ =	sdelay $0x1  }
0x70: {  	v3 =	vperm.xlane v3, v2;
	v4 =	vadd.s32 v1, v4;
	_ =	sdelay $0x1  }
0x71: {  	v3 =	vadd.s32 v1, v3;
	_ =	sdelay $0x2  }
0x72: {  	[tilespmem:s9], [sflag:$0x1] =	stream.indirect_vreg.gather [hbm4b:s2+s3], $0x80, v4, vm0, $0xb8;
	[tilespmem:$0x8100] =	vst v63  }
0x73: {  	_ = 	snop  }
0x74: {  	[tilespmem:s10], [sflag:$0x1] =	stream.indirect_vreg.gather [hbm4b:s2+s3], $0x80, v3, vm0, $0xb8;
	[tilespmem:$0x8100] =	vst v63  }
0x75: {  	v3 =	vld [tilespmem:$0x90];
	_ =	sdelay $0x4  }
0x76: {  	v57 =	vshll.u32 v3, $0x1  }
0x77: {  	v3 =	vand.u32 $0x7, v3;
	v4 =	vand.u32 $0xFFFFFFF0, v57  }
0x78: {  	v3 =	vor.u32 v3, v4  }
0x79: {  	v4 =	vperm.xlane v3, v0;
	_ =	sdelay $0x1  }
0x7a: {  	v3 =	vperm.xlane v3, v2;
	v4 =	vadd.s32 v1, v4;
	_ =	sdelay $0x1  }
0x7b: {  	v3 =	vadd.s32 v1, v3;
	_ =	sdelay $0x2  }
0x7c: {  	[tilespmem:s11], [sflag:$0x1] =	stream.indirect_vreg.gather [hbm4b:s2+s3], $0x80, v4, vm0, $0xb8;
	[tilespmem:$0x8100] =	vst v63  }
0x7d: {  	_ = 	snop  }
0x7e: {  	[tilespmem:s12], [sflag:$0x1] =	stream.indirect_vreg.gather [hbm4b:s2+s3], $0x80, v3, vm0, $0xb8;
	[tilespmem:$0x8100] =	vst v63  }
0x7f: {  	v3 =	vld [tilespmem:$0xA0];
	_ =	sdelay $0x4  }
0x80: {  	v58 =	vshll.u32 v3, $0x1  }
0x81: {  	v3 =	vand.u32 $0x7, v3;
	v4 =	vand.u32 $0xFFFFFFF0, v58  }
0x82: {  	v3 =	vor.u32 v3, v4  }
0x83: {  	v4 =	vperm.xlane v3, v0;
	_ =	sdelay $0x1  }
0x84: {  	v3 =	vperm.xlane v3, v2;
	v4 =	vadd.s32 v1, v4;
	_ =	sdelay $0x1  }
0x85: {  	v3 =	vadd.s32 v1, v3;
	_ =	sdelay $0x2  }
0x86: {  	[tilespmem:s13], [sflag:$0x1] =	stream.indirect_vreg.gather [hbm4b:s2+s3], $0x80, v4, vm0, $0xb8;
	[tilespmem:$0x8100] =	vst v63  }
0x87: {  	_ = 	snop  }
0x88: {  	[tilespmem:s14], [sflag:$0x1] =	stream.indirect_vreg.gather [hbm4b:s2+s3], $0x80, v3, vm0, $0xb8;
	[tilespmem:$0x8100] =	vst v63  }
0x89: {  	v3 =	vld [tilespmem:$0xB0];
	_ =	sdelay $0x4  }
0x8a: {  	v59 =	vshll.u32 v3, $0x1  }
0x8b: {  	v3 =	vand.u32 $0x7, v3;
	v4 =	vand.u32 $0xFFFFFFF0, v59  }
0x8c: {  	v3 =	vor.u32 v3, v4  }
0x8d: {  	v4 =	vperm.xlane v3, v0;
	_ =	sdelay $0x1  }
0x8e: {  	v3 =	vperm.xlane v3, v2;
	v4 =	vadd.s32 v1, v4;
	_ =	sdelay $0x1  }
0x8f: {  	v3 =	vadd.s32 v1, v3;
	_ =	sdelay $0x2  }
0x90: {  	[tilespmem:s15], [sflag:$0x1] =	stream.indirect_vreg.gather [hbm4b:s2+s3], $0x80, v4, vm0, $0xb8;
	[tilespmem:$0x8100] =	vst v63  }
0x91: {  	_ = 	snop  }
0x92: {  	[tilespmem:s16], [sflag:$0x1] =	stream.indirect_vreg.gather [hbm4b:s2+s3], $0x80, v3, vm0, $0xb8;
	[tilespmem:$0x8100] =	vst v63  }
0x93: {  	v3 =	vld [tilespmem:$0xC0];
	_ =	sdelay $0x4  }
0x94: {  	v60 =	vshll.u32 v3, $0x1  }
0x95: {  	v3 =	vand.u32 $0x7, v3;
	v4 =	vand.u32 $0xFFFFFFF0, v60  }
0x96: {  	v3 =	vor.u32 v3, v4  }
0x97: {  	v4 =	vperm.xlane v3, v0;
	_ =	sdelay $0x1  }
0x98: {  	v3 =	vperm.xlane v3, v2;
	v4 =	vadd.s32 v1, v4;
	_ =	sdelay $0x1  }
0x99: {  	v3 =	vadd.s32 v1, v3;
	_ =	sdelay $0x2  }
0x9a: {  	[tilespmem:s17], [sflag:$0x1] =	stream.indirect_vreg.gather [hbm4b:s2+s3], $0x80, v4, vm0, $0xb8;
	[tilespmem:$0x8100] =	vst v63  }
0x9b: {  	_ = 	snop  }
0x9c: {  	[tilespmem:s18], [sflag:$0x1] =	stream.indirect_vreg.gather [hbm4b:s2+s3], $0x80, v3, vm0, $0xb8;
	[tilespmem:$0x8100] =	vst v63  }
0x9d: {  	v3 =	vld [tilespmem:$0xD0];
	_ =	sdelay $0x4  }
0x9e: {  	v61 =	vshll.u32 v3, $0x1  }
0x9f: {  	v3 =	vand.u32 $0x7, v3;
	v4 =	vand.u32 $0xFFFFFFF0, v61  }
0xa0: {  	v3 =	vor.u32 v3, v4  }
0xa1: {  	v4 =	vperm.xlane v3, v0;
	_ =	sdelay $0x1  }
0xa2: {  	v3 =	vperm.xlane v3, v2;
	v4 =	vadd.s32 v1, v4;
	_ =	sdelay $0x1  }
0xa3: {  	v3 =	vadd.s32 v1, v3;
	_ =	sdelay $0x2  }
0xa4: {  	[tilespmem:s19], [sflag:$0x1] =	stream.indirect_vreg.gather [hbm4b:s2+s3], $0x80, v4, vm0, $0xb8;
	[tilespmem:$0x8100] =	vst v63  }
0xa5: {  	_ = 	snop  }
0xa6: {  	[tilespmem:s20], [sflag:$0x1] =	stream.indirect_vreg.gather [hbm4b:s2+s3], $0x80, v3, vm0, $0xb8;
	[tilespmem:$0x8100] =	vst v63  }
0xa7: {  	v3 =	vld [tilespmem:$0xE0];
	_ =	sdelay $0x4  }
0xa8: {  	v62 =	vshll.u32 v3, $0x1  }
0xa9: {  	v3 =	vand.u32 $0x7, v3;
	v4 =	vand.u32 $0xFFFFFFF0, v62  }
0xaa: {  	v3 =	vor.u32 v3, v4  }
0xab: {  	v4 =	vperm.xlane v3, v0;
	_ =	sdelay $0x1  }
0xac: {  	v3 =	vperm.xlane v3, v2;
	v4 =	vadd.s32 v1, v4;
	_ =	sdelay $0x1  }
0xad: {  	v3 =	vadd.s32 v1, v3;
	_ =	sdelay $0x2  }
0xae: {  	[tilespmem:s21], [sflag:$0x1] =	stream.indirect_vreg.gather [hbm4b:s2+s3], $0x80, v4, vm0, $0xb8;
	[tilespmem:$0x8100] =	vst v63  }
0xaf: {  	_ = 	snop  }
0xb0: {  	[tilespmem:s22], [sflag:$0x1] =	stream.indirect_vreg.gather [hbm4b:s2+s3], $0x80, v3, vm0, $0xb8;
	[tilespmem:$0x8100] =	vst v63  }
0xb1: {  	v3 =	vld [tilespmem:$0xF0];
	_ =	sdelay $0x4  }
0xb2: {  	v63 =	vshll.u32 v3, $0x1  }
0xb3: {  	v3 =	vand.u32 $0x7, v3;
	v4 =	vand.u32 $0xFFFFFFF0, v63  }
0xb4: {  	v3 =	vor.u32 v3, v4  }
0xb5: {  	v4 =	vperm.xlane v3, v0;
	_ =	sdelay $0x1  }
0xb6: {  	v3 =	vperm.xlane v3, v2;
	v4 =	vadd.s32 v1, v4;
	_ =	sdelay $0x1  }
0xb7: {  	v3 =	vadd.s32 v1, v3;
	_ =	sdelay $0x2  }
0xb8: {  	[tilespmem:s23], [sflag:$0x1] =	stream.indirect_vreg.gather [hbm4b:s2+s3], $0x80, v4, vm0, $0xb8;
	[tilespmem:$0x8100] =	vst v63  }
0xb9: {  	_ = 	snop  }
0xba: {  	[tilespmem:s24], [sflag:$0x1] =	stream.indirect_vreg.gather [hbm4b:s2+s3], $0x80, v3, vm0, $0xb8;
	[tilespmem:$0x8100] =	vst v63  }
0xbb: {  	_ =	swait.ge [sflag:s25], $0x8000  }
0xbc: {  	p0 =	sne.s32 s7, $0x1;
	[sflag:s25] =	ssyncset.done $0x0  }
.Ltmp0:
0xbd: {  	[sflag:s25] =	ssyncadd.s32 $0xFFFF8000;
	(pc) =	sbr.rel @p0 .LBB2_1-.Ltmp0, $4  }
0xbe: {  	[hbm4b:s6+s3] =	stream.linear.scatter [tilespmem:s9], [sflag:$0x2], $0x8000, $0x38;
	[tilespmem:$0x8100] =	vst v63  }
0xbf: {  	_ =	swait.ge [sflag:s8], $0x8000  }
0xc0: {  	[sflag:s8] =	ssyncset.done $0x0  }
0xc1: {  	s7 =	sadd.s32 $0xFFFFFFFF, s7;
	[sflag:s8] =	ssyncadd.s32 $0xFFFF8000  }
0xc2: {  	_ =	sfence.sel $0x180000  }
0xc3: {  	[bflag:$0x0] =	sbarrier.arrive $0xFFFF  }
0xc4: {  	p0 =	sne.s32 s1, $0x0;
	_ =	strace $0x90000047  }
0xc5: {  	s0 =	sadd.s32 @!p0 $0x100000, s0;
	[bflag:$0x2] =	sbarrier.arrive $0xFFFF  }
0xc6: {  	[sflag:s0] =	ssyncadd.tile.s32 @!p0 $0x1;
	_ =	shalt  }
.Lfunc_end2:
_tile_overlayer_lowered:
.L_overlay_start_2:
0xc7: {  	(tag) =	ssettag $0x2  }
0xc8: {  	s0 =	rddreg [dreg:$0x0];
	s2 =	stileid.u32  }
0xc9: {  	s1 =	rddreg [dreg:$0x1];
	p0 =	sne.s32 s2, $0x0  }
0xca: {  	s3 =	rddreg [dreg:$0x2];
	[bflag:$0x3] =	sbarrier.arrive $0xFFFF;
	s2 =	simm.s32 @!p0 $0x1C02  }
0xcb: {  	[timem:s3], [sflag:s2] =	dma.local @!p0 [hbm:s0], s1  }
0xcc: {  	s0 =	simm.s32 @!p0 $0x2  }
0xcd: {  	_ =	swait.ge @!p0 [sflag:s0], s1  }
0xce: {  	s1 =	ssub.s32 @!p0 $0x0, s1;
	[sflag:s0] =	ssyncset.done @!p0 $0x0  }
0xcf: {  	[sflag:s0] =	ssyncadd.s32 @!p0 s1  }
0xd0: {  	[bflag:$0x3] =	sbarrier.arrive $0xFFFF  }
0xd1: {  	_ =	shalt  }

</sc_bundles>
